<compile_context>
chip_gen: v7x
topology: tpu7x:2x2x1
jax: 0.10.2.dev20260603
libtpu: 0.0.44.dev20260713+nightly
codegen_flags: <defaults>
</compile_context>

<pallas_src>
import jax
import jax.numpy as jnp
from jax.experimental import pallas as pl
from jax.experimental.pallas import tpu as pltpu


def _scatter_body(gr, er, ir, emb_ref, id_ref, qe_ref, qi_ref, oe_ref, oi_ref):
    oe_ref[...] = emb_ref[...]
    oi_ref[...] = id_ref[...]


def kernel(embeddings, queue_emb, item_ids, queue_ids):
    C, D = queue_emb.shape
    B = item_ids.shape[0]

    order = jnp.argsort(item_ids).astype(jnp.int32)
    sids = jnp.take(item_ids, order)
    uniq = jnp.concatenate(
        [jnp.ones((1,), dtype=bool), sids[1:] != sids[:-1]], axis=0)

    q_order = jnp.argsort(queue_ids)
    q_sorted = jnp.take(queue_ids, q_order)
    pos = jnp.clip(jnp.searchsorted(q_sorted, sids), 0, C - 1)
    found = q_sorted[pos] == sids
    idx = jnp.where(found, jnp.take(q_order, pos), -1)

    valid_update = uniq & (idx >= 0)
    upd_row = jnp.where(valid_update, idx, C).astype(jnp.int32)

    new_mask = uniq & (idx < 0)
    enq_pos = jnp.mod(jnp.cumsum(new_mask.astype(jnp.int32)) - 1, C)
    enq_row = jnp.where(new_mask, enq_pos, C).astype(jnp.int32)

    gather_rows = jnp.concatenate([order, order])
    emb_rows = jnp.concatenate([upd_row, enq_row])
    ids_rows = jnp.concatenate([jnp.full((B,), C, jnp.int32), enq_row])

    qemb_pad = jnp.concatenate(
        [queue_emb, jnp.zeros((1, D), queue_emb.dtype)], axis=0).reshape(C + 1, 1, D)
    qids_pad = jnp.concatenate(
        [queue_ids, jnp.full((1,), -1, queue_ids.dtype)], axis=0).reshape(C + 1, 1, 1)
    emb3 = embeddings.reshape(B, 1, D)
    ids3 = item_ids.reshape(B, 1, 1)

    grid_spec = pltpu.PrefetchScalarGridSpec(
        num_scalar_prefetch=3,
        grid=(2 * B,),
        in_specs=[
            pl.BlockSpec((1, 1, D), lambda i, gr, er, ir: (gr[i], 0, 0)),
            pl.BlockSpec((1, 1, 1), lambda i, gr, er, ir: (gr[i], 0, 0)),
            pl.BlockSpec(memory_space=pl.ANY),
            pl.BlockSpec(memory_space=pl.ANY),
        ],
        out_specs=[
            pl.BlockSpec((1, 1, D), lambda i, gr, er, ir: (er[i], 0, 0)),
            pl.BlockSpec((1, 1, 1), lambda i, gr, er, ir: (ir[i], 0, 0)),
        ],
    )

    out_e, out_i = pl.pallas_call(
        _scatter_body,
        grid_spec=grid_spec,
        out_shape=[
            jax.ShapeDtypeStruct((C + 1, 1, D), queue_emb.dtype),
            jax.ShapeDtypeStruct((C + 1, 1, 1), queue_ids.dtype),
        ],
        input_output_aliases={5: 0, 6: 1},
    )(gather_rows, emb_rows, ids_rows, emb3, ids3, qemb_pad, qids_pad)

    return out_e[:C, 0], out_i[:C, 0, 0]

# --- scband reference (transcript-rebuilt; emitter-appended) ---
"""Pipeline reference for scband-cached-uniform-sampler-45664092291775 (READ-ONLY COPY).

The authoritative reference and input builder live on the scoring server;
editing this copy changes nothing except your own understanding.
"""

import jax, jax.numpy as jnp
import numpy as np

CAPACITY = 100000


def setup_inputs(seed: int = 0) -> dict:
    key = jax.random.key(seed)
    k1, k2, k3, k4 = jax.random.split(key, 4)
    B, D, C, V = 16384, 64, CAPACITY, 1000000
    embeddings = jax.random.normal(k1, (B, D), dtype=jnp.float32)
    item_ids = jax.random.randint(k2, (B,), 0, V, dtype=jnp.int32)
    # FIFO queue state (steady state: cache already full of unique-ish items)
    queue_emb = jax.random.normal(k3, (C, D), dtype=jnp.float32)
    queue_ids = jax.random.randint(k4, (C,), 0, V, dtype=jnp.int32)
    return {"embeddings": embeddings, "queue_emb": queue_emb,
            "item_ids": item_ids, "queue_ids": queue_ids}


def _update_queue(embeddings, queue_emb, item_ids, queue_ids):
    # Faithful functional translation of CachedUniformSampler.call:
    # 1) dedupe batch items (sort + non-repeated mask)
    # 2) index_of(item_ids) against the cached id queue
    # 3) existing items -> scatter-overwrite their cached embeddings
    # 4) new items -> FIFO enqueue (overwrite oldest slots)
    # 5) sample() -> return full queue contents (uniform negatives)
    C, D = queue_emb.shape
    order = jnp.argsort(item_ids)
    sids = jnp.take(item_ids, order)
    semb = jnp.take(embeddings, order, axis=0)
    uniq_mask = jnp.concatenate(
        [jnp.ones((1,), dtype=bool), sids[1:] != sids[:-1]], axis=0)

    # index_of via sorted queue ids + searchsorted (avoids B x C blowup)
    q_order = jnp.argsort(queue_ids)
    q_sorted = jnp.take(queue_ids, q_order)
    pos = jnp.searchsorted(q_sorted, sids)
    pos_c = jnp.clip(pos, 0, C - 1)
    found = q_sorted[pos_c] == sids
    idx = jnp.where(found, jnp.take(q_order, pos_c), -1)

    # update_by_indices: overwrite embeddings of existing items
    valid_update = uniq_mask & (idx >= 0)
    scatter_idx = jnp.where(valid_update, idx, C)  # C = dummy row
    padded = jnp.concatenate([queue_emb, jnp.zeros((1, D), queue_emb.dtype)], axis=0)
    padded = padded.at[scatter_idx].set(semb)
    queue_emb = padded[:C]

    # enqueue_many: new items overwrite oldest FIFO slots (head = 0)
    new_mask = uniq_mask & (idx < 0)
    enq_rank = jnp.cumsum(new_mask.astype(jnp.int32)) - 1
    enq_pos = jnp.mod(enq_rank, C)
    scatter_pos = jnp.where(new_mask, enq_pos, C)
    padded2 = jnp.concatenate([queue_emb, jnp.zeros((1, D), queue_emb.dtype)], axis=0)
    padded2 = padded2.at[scatter_pos].set(semb)
    queue_emb = padded2[:C]

    padded_ids = jnp.concatenate([queue_ids, jnp.full((1,), -1, queue_ids.dtype)], axis=0)
    padded_ids = padded_ids.at[scatter_pos].set(sids)
    queue_ids = padded_ids[:C]

    # sample(): list_all() on both queues
    return queue_emb, queue_ids


def reference(embeddings, queue_emb, item_ids, queue_ids):
    return _update_queue(embeddings, queue_emb, item_ids, queue_ids)

if __name__ == "__main__":
    import jax
    _d = setup_inputs()
    print(jax.jit(kernel)(*tuple(_d.values())))

</pallas_src>

<mosaic_0001>
module attributes {stable_mosaic.version = 14 : i64} {
  func.func @_scatter_body(%arg0: i32, %arg1: memref<32768xi32, #tpu.memory_space<smem>>, %arg2: memref<32768xi32, #tpu.memory_space<smem>>, %arg3: memref<32768xi32, #tpu.memory_space<smem>>, %arg4: memref<1x1x64xf32, #tpu.memory_space<vmem>>, %arg5: memref<1x1x1xi32, #tpu.memory_space<vmem>>, %arg6: memref<100001x1x64xf32, #tpu.memory_space<any>>, %arg7: memref<100001x1x1xi32, #tpu.memory_space<any>>, %arg8: memref<1x1x64xf32, #tpu.memory_space<vmem>>, %arg9: memref<1x1x1xi32, #tpu.memory_space<vmem>>) attributes {dimension_semantics = [#tpu.dimension_semantics<arbitrary>], iteration_bounds = array<i64: 32768>, scalar_prefetch = 3 : i64, scratch_operands = 0 : i64, tpu.core_type = #tpu.core_type<tc>, window_params = [{transform_indices = @transform_0, window_bounds = array<i64: 1, 1, 64>}, {transform_indices = @transform_1, window_bounds = array<i64: 1, 1, 1>}, {}, {}, {transform_indices = @transform_4, window_bounds = array<i64: 1, 1, 64>}, {transform_indices = @transform_5, window_bounds = array<i64: 1, 1, 1>}]} {
    %get3A = arith.constant 0 : index
    %get3A_0 = arith.constant 0 : index
    %get3A_1 = arith.constant 0 : index
    %get3A_2 = vector.load %arg4[%get3A, %get3A_0, %get3A_1] : memref<1x1x64xf32, #tpu.memory_space<vmem>>, vector<1x1x64xf32>
    %swap3A = arith.constant 0 : index
    %swap3A_3 = arith.constant 0 : index
    %swap3A_4 = arith.constant 0 : index
    %swap3A_5 = vector.load %arg8[%swap3A, %swap3A_3, %swap3A_4] : memref<1x1x64xf32, #tpu.memory_space<vmem>>, vector<1x1x64xf32>
    tpu.vector_store %arg8[%swap3A, %swap3A_3, %swap3A_4], %get3A_2 {strides = array<i32>} : memref<1x1x64xf32, #tpu.memory_space<vmem>>, vector<1x1x64xf32>,
    %get3A_6 = arith.constant 0 : index
    %get3A_7 = arith.constant 0 : index
    %get3A_8 = arith.constant 0 : index
    %get3A_9 = vector.load %arg5[%get3A_6, %get3A_7, %get3A_8] : memref<1x1x1xi32, #tpu.memory_space<vmem>>, vector<1x1x1xi32>
    %swap3A_10 = arith.constant 0 : index
    %swap3A_11 = arith.constant 0 : index
    %swap3A_12 = arith.constant 0 : index
    %swap3A_13 = vector.load %arg9[%swap3A_10, %swap3A_11, %swap3A_12] : memref<1x1x1xi32, #tpu.memory_space<vmem>>, vector<1x1x1xi32>
    tpu.vector_store %arg9[%swap3A_10, %swap3A_11, %swap3A_12], %get3A_9 {strides = array<i32>} : memref<1x1x1xi32, #tpu.memory_space<vmem>>, vector<1x1x1xi32>,
    return
  }
  func.func @transform_0(%arg0: i32, %arg1: memref<32768xi32, #tpu.memory_space<smem>>, %arg2: memref<32768xi32, #tpu.memory_space<smem>>, %arg3: memref<32768xi32, #tpu.memory_space<smem>>) -> (i32, i32, i32) {
    %get3A = arith.index_cast %arg0 : i32 to index
    %get3A_0 = memref.load %arg1[%get3A] : memref<32768xi32, #tpu.memory_space<smem>>
    %c0_i32 = arith.constant 0 : i32
    %c0_i32_1 = arith.constant 0 : i32
    %c0_i32_2 = arith.constant 0 : i32
    return %get3A_0, %c0_i32, %c0_i32_1 : i32, i32, i32
  }
  func.func @transform_1(%arg0: i32, %arg1: memref<32768xi32, #tpu.memory_space<smem>>, %arg2: memref<32768xi32, #tpu.memory_space<smem>>, %arg3: memref<32768xi32, #tpu.memory_space<smem>>) -> (i32, i32, i32) {
    %get3A = arith.index_cast %arg0 : i32 to index
    %get3A_0 = memref.load %arg1[%get3A] : memref<32768xi32, #tpu.memory_space<smem>>
    %c0_i32 = arith.constant 0 : i32
    %c0_i32_1 = arith.constant 0 : i32
    %c0_i32_2 = arith.constant 0 : i32
    return %get3A_0, %c0_i32, %c0_i32_1 : i32, i32, i32
  }
  func.func @transform_4(%arg0: i32, %arg1: memref<32768xi32, #tpu.memory_space<smem>>, %arg2: memref<32768xi32, #tpu.memory_space<smem>>, %arg3: memref<32768xi32, #tpu.memory_space<smem>>) -> (i32, i32, i32) {
    %get3A = arith.index_cast %arg0 : i32 to index
    %get3A_0 = memref.load %arg2[%get3A] : memref<32768xi32, #tpu.memory_space<smem>>
    %c0_i32 = arith.constant 0 : i32
    %c0_i32_1 = arith.constant 0 : i32
    %c0_i32_2 = arith.constant 0 : i32
    return %get3A_0, %c0_i32, %c0_i32_1 : i32, i32, i32
  }
  func.func @transform_5(%arg0: i32, %arg1: memref<32768xi32, #tpu.memory_space<smem>>, %arg2: memref<32768xi32, #tpu.memory_space<smem>>, %arg3: memref<32768xi32, #tpu.memory_space<smem>>) -> (i32, i32, i32) {
    %get3A = arith.index_cast %arg0 : i32 to index
    %get3A_0 = memref.load %arg3[%get3A] : memref<32768xi32, #tpu.memory_space<smem>>
    %c0_i32 = arith.constant 0 : i32
    %c0_i32_1 = arith.constant 0 : i32
    %c0_i32_2 = arith.constant 0 : i32
    return %get3A_0, %c0_i32, %c0_i32_1 : i32, i32, i32
  }
}

</mosaic_0001>

<sc_bundles>
// kernel: gather_offload_async_start.1
scs
__scs_entry_jumppad:
0x0: {  	(pc) =	sbr.rel $0x88, $3  }
0x1: {  	(tag) =	ssettag $0x0;
	lr =	simm.s32 $0x1  }
0x2: {  	[smem:$0x3F9D] =	sst lr;
	_ =	strace $0xD0000000  }
0x3: {  	_ = 	snop  }
0x4: {  	_ = 	snop  }
0x5: {  	_ = 	snop  }
0x6: {  	_ = 	snop  }
0x7: {  	_ = 	snop  }
__scs_overlays_trampoline_lowered:
0x8: {  	[smem:$0x3FAC] =	sst s0  }
0x9: {  	[smem:$0x3FAD] =	sst s1  }
0xa: {  	[smem:$0x3FAE] =	sst s2  }
0xb: {  	[smem:$0x3FAF] =	sst s3  }
0xc: {  	[smem:$0x3FB0] =	sst s4  }
0xd: {  	[smem:$0x3FB1] =	sst s5  }
0xe: {  	[smem:$0x3FB2] =	sst s6  }
0xf: {  	[smem:$0x3FB3] =	sst s7  }
0x10: {  	[smem:$0x3FB4] =	sst s8  }
0x11: {  	[smem:$0x3FB5] =	sst s9;
	s0 =	simm.s32 @!p0 $0x0  }
0x12: {  	s1 =	sld [smem:$0x3F9B];
	s0 =	simm.s32 @p0 $0x1  }
0x13: {  	[smem:$0x3FB6] =	sst s0;
	s0 =	simm.s32 @!p1 $0x0  }
0x14: {  	s2 =	sld [smem:$0x3F9A];
	s0 =	simm.s32 @p1 $0x1  }
0x15: {  	[smem:$0x3FB7] =	sst s0;
	s0 =	simm.s32 @!p2 $0x0  }
0x16: {  	s3 =	sld [smem:$0x3FDB];
	s0 =	simm.s32 @p2 $0x1  }
0x17: {  	s4 =	simm.s32 $0x1BF5;
	[smem:$0x3FB9] =	sst s0  }
0x18: {  	s0 =	sld [smem:$0x3F9C];
	_ =	swait.ge [sflag:s4], $0x0  }
0x19: {  	s7 =	sld [smem:$0x3F9D]  }
0x1a: {  	s8 =	sadd.s32 $0xFFFFE003, lr  }
0x1b: {  	s9 =	sadd.s32 $0xFFFFFEF7, lr;
	s5 =	simm.s32 $0xFFFFFFFF;
	p2 =	slt.u32 s8, $0xFFFFF086  }
0x1c: {  	p1 =	slt.u32 s9, $0xF7A;
	s5 =	simm.s32 @!p2 $0x0  }
0x1d: {  	s5 =	simm.s32 @p1 $0x1;
	p0 =	seq.s32 s7, s2  }
0x1e: {  	s7 =	smul.u32 @!p0 $0xF7A, s2;
	p2 =	seq.s32 @!p0 s5, $0x0  }
0x1f: {  	s9 =	smul.u32 $0xF7A, s1;
	s8 =	simm.s32 @!p0 $0x1BF5;
	p2 =	por !p2, p0  }
0x20: {  	[sflag:s8] =	ssyncset.s32 @!p0 $0xFFFFF086;
	s6 =	sadd.s32 @!p0 s3, s7;
	s7 =	simm.s32 @!p0 $0x108  }
0x21: {  	s3 =	sadd.s32 s3, s9;
	s6 =	sadd.s32 @!p0 $0x88, s6;
	s7 =	simm.s32 @p2 $0x1082  }
0x22: {  	[simem:s7], [sflag:s8] =	dma.local @!p0 [hbm:s6], $0xF7A  }
0x23: {  	s9 =	sor.u32 $0xD0000000, s2;
	s6 =	simm.s32 $0x108;
	_ =	swait.ge @!p0 [sflag:s8], $0x0  }
0x24: {  	s3 =	sadd.s32 $0x88, s3;
	s6 =	simm.s32 @!p1 $0x1082;
	[sflag:s4] =	ssyncset.s32 $0xFFFFF086  }
0x25: {  	[simem:s6], [sflag:s4] =	dma.local [hbm:s3], $0xF7A  }
0x26: {  	[smem:$0x3F9D] =	sst s1;
	(tag) =	ssettag s2;
	_ =	strace s9  }
0x27: {  	s1 =	sld [smem:$0x3FAD]  }
0x28: {  	s2 =	sld [smem:$0x3FAE]  }
0x29: {  	s4 =	sld [smem:$0x3FB0]  }
0x2a: {  	p0 =	seq.s32 s5, $0x0;
	s5 =	sld [smem:$0x3FB1]  }
0x2b: {  	s6 =	sld [smem:$0x3FB2]  }
0x2c: {  	s7 =	sld [smem:$0x3FB3]  }
0x2d: {  	s3 =	simm.s32 $0x108;
	s8 =	sld [smem:$0x3FB4]  }
0x2e: {  	s3 =	simm.s32 @!p0 $0x1082;
	s9 =	sld [smem:$0x3FB5]  }
0x2f: {  	lr =	sadd.s32 s0, s3;
	s0 =	sld [smem:$0x3FAC]  }
0x30: {  	s3 =	sld [smem:$0x3FAF]  }
0x31: {  	[smem:$0x3FB8] =	sst s10  }
0x32: {  	s10 =	sld [smem:$0x3FB6];
	_ =	sdelay $0x3  }
0x33: {  	p0 =	seq.s32 s10, $0x1;
	s10 =	sld [smem:$0x3FB8];
	_ =	sdelay $0x3  }
0x34: {  	[smem:$0x3FB8] =	sst s10  }
0x35: {  	s10 =	sld [smem:$0x3FB7];
	_ =	sdelay $0x3  }
0x36: {  	p1 =	seq.s32 s10, $0x1;
	s10 =	sld [smem:$0x3FB8];
	_ =	sdelay $0x3  }
0x37: {  	[smem:$0x3FB8] =	sst s10  }
0x38: {  	s10 =	sld [smem:$0x3FB9]  }
0x39: {  	_ = 	snop;
	(pc) =	sbr.ind lr, $3  }
0x3a: {  	_ = 	snop  }
0x3b: {  	_ = 	snop  }
0x3c: {  	p2 =	seq.s32 s10, $0x1;
	s10 =	sld [smem:$0x3FB8]  }
0x3d: {  	_ =	shalt  }
0x3e: {  	_ =	shalt  }
0x3f: {  	_ =	shalt  }
0x40: {  	_ =	shalt  }
0x41: {  	_ =	shalt  }
0x42: {  	_ =	shalt  }
0x43: {  	_ =	shalt  }
0x44: {  	_ =	shalt  }
0x45: {  	_ =	shalt  }
0x46: {  	_ =	shalt  }
0x47: {  	_ =	shalt  }
0x48: {  	_ =	shalt  }
0x49: {  	_ =	shalt  }
0x4a: {  	_ =	shalt  }
0x4b: {  	_ =	shalt  }
0x4c: {  	_ =	shalt  }
0x4d: {  	_ =	shalt  }
0x4e: {  	_ =	shalt  }
0x4f: {  	_ =	shalt  }
0x50: {  	_ =	shalt  }
0x51: {  	_ =	shalt  }
0x52: {  	_ =	shalt  }
0x53: {  	_ =	shalt  }
0x54: {  	_ =	shalt  }
0x55: {  	_ =	shalt  }
0x56: {  	_ =	shalt  }
0x57: {  	_ =	shalt  }
0x58: {  	_ =	shalt  }
0x59: {  	_ =	shalt  }
0x5a: {  	_ =	shalt  }
0x5b: {  	_ =	shalt  }
0x5c: {  	_ =	shalt  }
0x5d: {  	_ =	shalt  }
0x5e: {  	_ =	shalt  }
0x5f: {  	_ =	shalt  }
0x60: {  	_ =	shalt  }
0x61: {  	_ =	shalt  }
0x62: {  	_ =	shalt  }
0x63: {  	_ =	shalt  }
0x64: {  	_ =	shalt  }
0x65: {  	_ =	shalt  }
0x66: {  	_ =	shalt  }
0x67: {  	_ =	shalt  }
0x68: {  	_ =	shalt  }
0x69: {  	_ =	shalt  }
0x6a: {  	_ =	shalt  }
0x6b: {  	_ =	shalt  }
0x6c: {  	_ =	shalt  }
0x6d: {  	_ =	shalt  }
0x6e: {  	_ =	shalt  }
0x6f: {  	_ =	shalt  }
0x70: {  	_ =	shalt  }
0x71: {  	_ =	shalt  }
0x72: {  	_ =	shalt  }
0x73: {  	_ =	shalt  }
0x74: {  	_ =	shalt  }
0x75: {  	_ =	shalt  }
0x76: {  	_ =	shalt  }
0x77: {  	_ =	shalt  }
0x78: {  	_ =	shalt  }
0x79: {  	_ =	shalt  }
0x7a: {  	_ =	shalt  }
0x7b: {  	_ =	shalt  }
0x7c: {  	_ =	shalt  }
0x7d: {  	_ =	shalt  }
0x7e: {  	_ =	shalt  }
0x7f: {  	_ =	shalt  }
0x80: {  	_ =	shalt  }
0x81: {  	_ =	shalt  }
0x82: {  	_ =	shalt  }
0x83: {  	_ =	shalt  }
0x84: {  	_ =	shalt  }
0x85: {  	_ =	shalt  }
0x86: {  	_ =	shalt  }
0x87: {  	_ =	shalt  }
.Lfunc_end0:
.L_simem_size_0:
called_computation.1_lowered:
.L_overlay_start_0:
0x88: {  	s2 =	sld [smem:$0x3FD9]  }
0x89: {  	s3 =	sld [smem:$0x3FFE];
	_ =	sdelay $0x1  }
0x8a: {  	s1 =	srdreg.scid  }
0x8b: {  	s0 =	sand.u32 $0x1, s1  }
0x8c: {  	s17 =	sshll.u32 s0, $0xA;
	s2 =	sadd.s32 s3, s2  }
0x8d: {  	s2 =	sadd.s32 s2, s17  }
0x8e: {  	[smem:$0x3FC4] =	sst s2  }
0x8f: {  	_ = 	snop  }
0x90: {  	(tm) =	ssettm $0x1  }
0x91: {  	s18 =	sld [smem:$0x3FFB];
	_ =	sdelay $0x3  }
0x92: {  	_ =	strace s18  }
0x93: {  	s2 =	sld [smem:$0x3FFC];
	_ =	sdelay $0x3  }
0x94: {  	_ =	strace s2  }
0x95: {  	s2 =	sld [smem:$0x3FFD];
	_ =	sdelay $0x3  }
0x96: {  	_ =	strace s2  }
0x97: {  	_ =	strace $0x8FFFFFFF  }
0x98: {  	s19 =	sld [smem:$0x3FDB];
	_ =	sdelay $0x1  }
0x99: {  	s20 =	simm.s32 $_scs_section_size  }
0x9a: {  	s4 =	simm.s32 $_size__tile_overlayer_lowered;
	s5 =	simm.s32 $_tile_overlayer_lowered  }
0x9b: {  	s6 =	simm.s32 $0x1BFF;
	s21 =	sshll.u32 s5, $0x1;
	s3 =	sadd.s32 s20, s19  }
0x9c: {  	s22 =	simm.s32 $0x0;
	s4 =	sshll.u32 s4, $0x1;
	s5 =	sadd.s32 s21, s3  }
0x9d: {  	[timem:s22], [sflag:s6] =	dma.local [hbm:s5], s4  }
0x9e: {  	_ =	swait.ge [sflag:s6], s4  }
0x9f: {  	s4 =	ssub.s32 $0x0, s4;
	[sflag:s6] =	ssyncset.done $0x0  }
0xa0: {  	[sflag:s6] =	ssyncadd.s32 s4;
	_ =	sdelay $0x1  }
0xa1: {  	s23 =	simm.s32 $0x1B8B  }
0xa2: {  	_ =	swait.ge [sflag:s23], $0x1  }
0xa3: {  	[sflag:s23] =	ssyncset.done $0x0  }
0xa4: {  	[sflag:s23] =	ssyncadd.s32 $0xFFFFFFFF  }
0xa5: {  	s4 =	sld [smem:$0x0]  }
0xa6: {  	s5 =	sand.u32 $0xFFFFFFFE, s1  }
0xa7: {  	p0 =	sne.s32 s1, s5  }
0xa8: {  	s5 =	sshll.u32 @p0 s5, $0xE  }
0xa9: {  	s5 =	sadd.s32 @p0 $0x11B8D, s5;
	s6 =	sshll.u32 @p0 s4, $0x11  }
0xaa: {  	s5 =	sor.u32 @p0 s6, s5  }
0xab: {  	[sflag:s5] =	ssyncadd.remote.s32 @p0 $0x1;
	_ =	sdelay $0x1  }
0xac: {  	s5 =	simm.s32 @p0 $0x1B8D  }
0xad: {  	_ =	swait.eq @p0 [sflag:s5], $0x1  }
0xae: {  	[sflag:s5] =	ssyncadd.s32 @p0 $0xFFFFFFFF  }
0xaf: {  	s6 =	sshll.u32 @!p0 s1, $0xE  }
0xb0: {  	s6 =	sor.u32 @!p0 $0x4000, s6;
	s5 =	simm.s32 @!p0 $0x1B8D  }
0xb1: {  	s4 =	sshll.u32 @!p0 s4, $0x11;
	s6 =	sadd.s32 @!p0 $0x11B8D, s6;
	_ =	swait.eq @!p0 [sflag:s5], $0x1  }
0xb2: {  	s4 =	sor.u32 @!p0 s4, s6;
	[sflag:s5] =	ssyncadd.s32 @!p0 $0xFFFFFFFF  }
0xb3: {  	s25 =	simm.s32 $0x1B8E;
	s24 =	sld [smem:$0x3FFE];
	[sflag:s4] =	ssyncadd.remote.s32 @!p0 $0x1  }
0xb4: {  	s26 =	simm.s32 $execute0_lowered;
	[smem:$0x3FD2] =	sst s25  }
0xb5: {  	s5 =	sshll.u32 s26, $0x1;
	_ =	strace $0x8000004F;
	[dreg:$0x1] =	wrdreg $0xFFFFFFFF  }
0xb6: {  	s28 =	simm.s32 $_size_execute0_lowered;
	s3 =	sadd.s32 s3, s5;
	[dreg:$0x0] =	wrdreg $0x0  }
0xb7: {  	s5 =	sshll.u32 s28, $0x1;
	[dreg:$0x2] =	wrdreg s3  }
0xb8: {  	[dreg:$0x3] =	wrdreg s5  }
0xb9: {  	[dreg:$0x4] =	wrdreg $0xC0  }
0xba: {  	_ =	task [dreg:s22], $0x5FFFF  }
0xbb: {  	[dreg:$0x1] =	wrdreg $0xFFFFFFFF  }
0xbc: {  	[dreg:$0x0] =	wrdreg $0x60  }
0xbd: {  	[dreg:$0x2] =	wrdreg s24  }
0xbe: {  	[dreg:$0x3] =	wrdreg $0x9  }
0xbf: {  	_ =	task.clear_ibuf [dreg:s22], $0x4FFFF;
	_ =	strace $0x9000004F  }
0xc0: {  	s29 =	simm.s32 $0x9;
	_ =	strace $0x80000051  }
0xc1: {  	_ =	swait.ge [sflag:s29], $0x1  }
0xc2: {  	[sflag:s29] =	ssyncadd.s32 $0xFFFFFFFF  }
0xc3: {  	_ =	strace $0x90000051  }
0xc4: {  	_ =	sfence  }
0xc5: {  	s30 =	sld [smem:$0x0];
	_ =	sdelay $0x2  }
0xc6: {  	s31 =	sshll.u32 s1, $0xD;
	s1 =	sshrl.u32 s1, $0x2  }
0xc7: {  	s4 =	sand.u32 $0x4000, s31;
	s1 =	sadd.s32 s1, s30  }
0xc8: {  	s0 =	sor.u32 s4, s0;
	s1 =	sshll.u32 s1, $0x11  }
0xc9: {  	s0 =	sor.u32 s1, s0  }
0xca: {  	s0 =	sadd.s32 $0x8F2B, s0  }
0xcb: {  	[sflag:s0] =	ssyncadd.remote.s32 $0x1  }
0xcc: {  	_ =	sfence.sel $0xFFFF  }
0xcd: {  	[dreg:$0x0] =	wrdreg $0xFFFFFFFF;
	(pc) =	sbr.abs _section_cstart, $3  }
0xce: {  	[dreg:$0x1] =	wrdreg $0xFFFFFFFF  }
0xcf: {  	_ =	task.clear_ibuf [dreg:s22], $0x2FFFF;
	_ =	strace $0x9FFFFFFF  }
0xd0: {  	(tm) =	ssettm $0x7FFFFFFF  }
0xd1: {  	_ =	shalt  }
tec
execute0_lowered:
.L_overlay_start_1:
0x0: {  	(tag) =	ssettag $0x1  }
0x1: {  	s0 =	srdreg.scid;
	s5 =	rddreg [dreg:$0x0]  }
0x2: {  	s1 =	stileid.u32;
	s6 =	simm.s32 $0x1;
	s9 =	simm.s32 $0x1  }
0x3: {  	s10 =	simm.s32 $0x3;
	s13 =	simm.s32 $0x0;
	s2 =	sshll.u32 s0, $0x8  }
0x4: {  	s12 =	simm.s32 $0x0;
	s3 =	sshll.u32 s1, $0x9;
	s2 =	sand.u32 $0x100, s2  }
0x5: {  	s0 =	rddreg [dreg:$0x1];
	_ =	strace $0x80000050;
	s2 =	sor.u32 s3, s2  }
0x6: {  	s4 =	sadd.s32 $0x800, s5;
	[sflag:s6] =	ssyncpa.u1 $0x0;
	s8 =	ssub.s32 $0x4000, s2  }
.Ltmp0:
0x7: {  	s3 =	sadd.s32 $0x2A00, s5;
	s7 =	sand.u32 $0x1F00, s8;
	(pc) =	sbr.rel .LBB2_1-.Ltmp0, $4  }
0x8: {  	s5 =	sadd.s32 $0x353C00, s5;
	s11 =	smov.u32 s2;
	p0 =	sne.s32 s7, $0x0  }
0x9: {  	s8 =	sshrl.u32 s8, $0xD;
	s7 =	simm.s32 $0x2;
	s9 =	simm.s32 @!p0 $0x0  }
0xa: {  	[sflag:s7] =	ssyncpa.u1 $0x0;
	p0 =	por $0x0, $0x0;
	s8 =	sadd.s32 s9, s8  }
0xb: {  	vm0 =	vmmov $0xffff;
	[sflag:s10] =	ssyncpa.u1 $0x0;
	s10 =	simm.s32 $0x0;
	s9 =	sadd.s32 $0x1, s8  }
.LBB2_4:
0xc: {  	v2 =	vnsel vm1, $0x0, v2  }
0xd: {  	vm1 =	vgt.s32 v0, $0x0;
	v2 =	vmin.u32 v2, $0x1869F  }
0xe: {  	v0 =	vnsel vm1, $0x0, v0  }
0xf: {  	v0 =	vmin.u32 v0, $0x1869F  }
0x10: {  	[tilespmem:s15], [sflag:$0x1] =	stream.indirect_vreg.gather [hbm4b:s3+s10], $0x1, v1, vm0, $0x4038;
	[tilespmem:$0x400] =	vst v63  }
0x11: {  	(ifvalue) =	ssetifvalue $0x7FFFFFFF  }
0x12: {  	[tilespmem:s16], [sflag:$0x1] =	stream.indirect_vreg.gather [hbm4b:s3+s10], $0x1, v2, vm0, $0x4038;
	[tilespmem:$0x400] =	vst v63  }
0x13: {  	s29 =	sadd.s32 $0x10, s16;
	(ifvalue) =	ssetifvalue $0x7FFFFFFF  }
0x14: {  	[tilespmem:s29], [sflag:$0x1] =	stream.indirect_vreg.gather [hbm4b:s3+s10], $0x1, v0, vm0, $0x4038;
	[tilespmem:$0x400] =	vst v63  }
0x15: {  	_ =	swait.ge [sflag:s6], $0x100  }
0x16: {  	s30 =	sshrl.u32 s13, $0x3;
	[sflag:s6] =	ssyncset.done $0x0  }
0x17: {  	s31 =	sand.u32 $0x7, s13;
	s15 =	sadd.s32 s5, s30;
	[sflag:s6] =	ssyncadd.s32 $0xFFFFFF00  }
0x18: {  	[hbm4b:s15+s31] =	stream.linear.scatter [tilespmem:s14], [sflag:$0x3], $0x100, $0x38;
	[tilespmem:$0x400] =	vst v63  }
.LBB2_5:
0x19: {  	s15 =	sadd.s32 $0x2000, s11  }
0x1a: {  	p2 =	sgt.s32 s15, $0x3FFF  }
0x1b: {  	s15 =	smov.u32 @p2 s2;
	p2 =	sne.s32 s12, s9  }
.Ltmp1:
0x1c: {  	p1 =	slt.u32 s12, $0x2;
	(pc) =	sbr.rel @!p2 .LBB2_6-.Ltmp1, $4  }
0x1d: {  	s14 =	simm.s32 @!p1 $0x3  }
0x1e: {  	s16 =	sadd.s32 $0x1, s12;
	_ =	swait.ge @!p1 [sflag:s14], $0x100  }
0x1f: {  	s13 =	smov.u32 s11;
	p0 =	por !p0, !p0;
	[sflag:s14] =	ssyncset.done @!p1 $0x0  }
0x20: {  	s12 =	smov.u32 s16;
	s11 =	smov.u32 s15;
	[sflag:s14] =	ssyncadd.s32 @!p1 $0xFFFFFF00  }
.LBB2_1:
0x21: {  	p1 =	sge.u32 s12, s8  }
0x22: {  	s14 =	sxor.u32 @!p1 $0xFFFFFFFF, s12  }
0x23: {  	s31 =	sadd.s32 $0xFFFFFFFF, s12;
	s15 =	sshrl.u32 @!p1 s11, $0x3;
	s14 =	sshll.u32 @!p1 s14, $0x8  }
0x24: {  	s16 =	sand.u32 @!p1 $0x7, s11;
	s15 =	sadd.s32 @!p1 s4, s15;
	s14 =	sand.u32 @!p1 $0x100, s14  }
0x25: {  	[tilespmem:s14], [sflag:$0x2] =	stream.linear.gather @!p1 [hbm4b:s15+s16], $0x100, $0x38;
	[tilespmem:$0x400] =	vst v63  }
0x26: {  	p1 =	sge.u32 s31, s8  }
.Ltmp2:
0x27: {  	_ = 	snop;
	(pc) =	sbr.rel @p1 .LBB2_5-.Ltmp2, $1  }
0x28: {  	_ =	sdelay $0x3  }
0x29: {  	s14 =	simm.s32 $0x1  }
0x2a: {  	_ =	swait.ge [sflag:s7], $0x100;
	s14 =	simm.s32 @!p0 $0x0  }
0x2b: {  	[sflag:s7] =	ssyncset.done $0x0;
	s14 =	sshll.u32 s14, $0x8  }
0x2c: {  	[sflag:s7] =	ssyncadd.s32 $0xFFFFFF00;
	(ifvalue) =	ssetifvalue $0x7FFFFFFF;
	v0 =	vld.msk [tilespmem:s14+$0x0 ss:$0x1], $0xffff;
	_ =	sdelay $0x4  }
0x2d: {  	s15 =	sadd.s32 $0x10, s14;
	vm1 =	vgt.s32 v0, $0x0  }
0x2e: {  	v2 =	vld.msk [tilespmem:s15+$0x0 ss:$0x1], $0xffff;
	v1 =	vnsel vm1, $0x0, v0  }
0x2f: {  	v1 =	vmin.u32 v1, $0x1869F;
	_ =	sdelay $0x1  }
0x30: {  	s16 =	sshll.u32 s12, $0x8;
	s18 =	simm.s32 $0x20  }
0x31: {  	s16 =	sand.u32 $0x100, s16;
	s17 =	sadd.s32 $0x10, s15;
	s15 =	sor.u32 $0x200, s14  }
0x32: {  	s14 =	sor.u32 $0x200, s16;
	s16 =	sadd.s32 $0x10, s15;
	v0 =	vld.msk [tilespmem:s17+$0x0 ss:$0x1], $0xffff;
	vm1 =	vgt.s32 v2, $0x0;
	(ifvalue) =	ssetifvalue $0x7FFFFFFF  }
.LBB2_3:
0x33: {  	[tilespmem:s15], [sflag:$0x1] =	stream.indirect_vreg.gather [hbm4b:s3+s10], $0x1, v1, vm0, $0x4038;
	[tilespmem:$0x400] =	vst v63  }
0x34: {  	s18 =	sadd.s32 $0x10, s18  }
0x35: {  	v2 =	vnsel vm1, $0x0, v2;
	p1 =	slt.u32 s18, $0xF0  }
.Ltmp3:
0x36: {  	s15 =	smov.u32 s16;
	v1 =	vmin.u32 v2, $0x1869F;
	(pc) =	sbr.rel @p1 .LBB2_3-.Ltmp3, $3  }
0x37: {  	_ =	sdelay $0x1  }
0x38: {  	s17 =	sadd.s32 $0x10, s17  }
0x39: {  	vm1 =	vgt.s32 v0, $0x0;
	s16 =	sadd.s32 $0x10, s16;
	v2 =	vmov v0;
	(ifvalue) =	ssetifvalue $0x7FFFFFFF;
	v0 =	vld.msk [tilespmem:s17+$0x0 ss:$0x1], $0xffff  }
.Ltmp4:
0x3a: {  	_ = 	snop;
	(pc) =	sbr.rel .LBB2_4-.Ltmp4, $1  }
0x3b: {  	_ =	sdelay $0x3  }
.LBB2_6:
0x3c: {  	_ =	sfence.sel $0x180000  }
0x3d: {  	s2 =	simm.s32 $0x2;
	[bflag:$0x0] =	sbarrier.arrive $0xFFFF  }
0x3e: {  	s30 =	simm.s32 $0x3;
	[sflag:s2] =	ssyncpa.u1 $0x1  }
0x3f: {  	s31 =	simm.s32 $0x1;
	[sflag:s30] =	ssyncpa.u1 $0x1  }
0x40: {  	[sflag:s31] =	ssyncpa.u1 $0x1  }
0x41: {  	p0 =	sne.s32 s1, $0x0;
	_ =	strace $0x90000050  }
0x42: {  	s0 =	sadd.s32 @!p0 $0x100000, s0;
	[bflag:$0x2] =	sbarrier.arrive $0xFFFF  }
0x43: {  	[sflag:s0] =	ssyncadd.tile.s32 @!p0 $0x1;
	_ =	shalt  }
.Lfunc_end2:
_tile_overlayer_lowered:
.L_overlay_start_2:
0x44: {  	(tag) =	ssettag $0x2  }
0x45: {  	s0 =	rddreg [dreg:$0x0];
	s2 =	stileid.u32  }
0x46: {  	s1 =	rddreg [dreg:$0x1];
	p0 =	sne.s32 s2, $0x0  }
0x47: {  	s3 =	rddreg [dreg:$0x2];
	[bflag:$0x3] =	sbarrier.arrive $0xFFFF;
	s2 =	simm.s32 @!p0 $0x1C01  }
0x48: {  	[timem:s3], [sflag:s2] =	dma.local @!p0 [hbm:s0], s1  }
0x49: {  	s0 =	simm.s32 @!p0 $0x1  }
0x4a: {  	_ =	swait.ge @!p0 [sflag:s0], s1  }
0x4b: {  	s1 =	ssub.s32 @!p0 $0x0, s1;
	[sflag:s0] =	ssyncset.done @!p0 $0x0  }
0x4c: {  	[sflag:s0] =	ssyncadd.s32 @!p0 s1  }
0x4d: {  	[bflag:$0x3] =	sbarrier.arrive $0xFFFF  }
0x4e: {  	_ =	shalt  }

// kernel: gather_offload_async_start.2
scs
__scs_entry_jumppad:
0x0: {  	(pc) =	sbr.rel $0x88, $3  }
0x1: {  	(tag) =	ssettag $0x0;
	lr =	simm.s32 $0x1  }
0x2: {  	[smem:$0x3F9D] =	sst lr;
	_ =	strace $0xD0000000  }
0x3: {  	_ = 	snop  }
0x4: {  	_ = 	snop  }
0x5: {  	_ = 	snop  }
0x6: {  	_ = 	snop  }
0x7: {  	_ = 	snop  }
__scs_overlays_trampoline_lowered:
0x8: {  	[smem:$0x3FAC] =	sst s0  }
0x9: {  	[smem:$0x3FAD] =	sst s1  }
0xa: {  	[smem:$0x3FAE] =	sst s2  }
0xb: {  	[smem:$0x3FAF] =	sst s3  }
0xc: {  	[smem:$0x3FB0] =	sst s4  }
0xd: {  	[smem:$0x3FB1] =	sst s5  }
0xe: {  	[smem:$0x3FB2] =	sst s6  }
0xf: {  	[smem:$0x3FB3] =	sst s7  }
0x10: {  	[smem:$0x3FB4] =	sst s8  }
0x11: {  	[smem:$0x3FB5] =	sst s9;
	s0 =	simm.s32 @!p0 $0x0  }
0x12: {  	s1 =	sld [smem:$0x3F9B];
	s0 =	simm.s32 @p0 $0x1  }
0x13: {  	[smem:$0x3FB6] =	sst s0;
	s0 =	simm.s32 @!p1 $0x0  }
0x14: {  	s2 =	sld [smem:$0x3F9A];
	s0 =	simm.s32 @p1 $0x1  }
0x15: {  	[smem:$0x3FB7] =	sst s0;
	s0 =	simm.s32 @!p2 $0x0  }
0x16: {  	s3 =	sld [smem:$0x3FDB];
	s0 =	simm.s32 @p2 $0x1  }
0x17: {  	s4 =	simm.s32 $0x1BF5;
	[smem:$0x3FB9] =	sst s0  }
0x18: {  	s0 =	sld [smem:$0x3F9C];
	_ =	swait.ge [sflag:s4], $0x0  }
0x19: {  	s7 =	sld [smem:$0x3F9D]  }
0x1a: {  	s8 =	sadd.s32 $0xFFFFE003, lr  }
0x1b: {  	s9 =	sadd.s32 $0xFFFFFEF7, lr;
	s5 =	simm.s32 $0xFFFFFFFF;
	p2 =	slt.u32 s8, $0xFFFFF086  }
0x1c: {  	p1 =	slt.u32 s9, $0xF7A;
	s5 =	simm.s32 @!p2 $0x0  }
0x1d: {  	s5 =	simm.s32 @p1 $0x1;
	p0 =	seq.s32 s7, s2  }
0x1e: {  	s7 =	smul.u32 @!p0 $0xF7A, s2;
	p2 =	seq.s32 @!p0 s5, $0x0  }
0x1f: {  	s9 =	smul.u32 $0xF7A, s1;
	s8 =	simm.s32 @!p0 $0x1BF5;
	p2 =	por !p2, p0  }
0x20: {  	[sflag:s8] =	ssyncset.s32 @!p0 $0xFFFFF086;
	s6 =	sadd.s32 @!p0 s3, s7;
	s7 =	simm.s32 @!p0 $0x108  }
0x21: {  	s3 =	sadd.s32 s3, s9;
	s6 =	sadd.s32 @!p0 $0x88, s6;
	s7 =	simm.s32 @p2 $0x1082  }
0x22: {  	[simem:s7], [sflag:s8] =	dma.local @!p0 [hbm:s6], $0xF7A  }
0x23: {  	s9 =	sor.u32 $0xD0000000, s2;
	s6 =	simm.s32 $0x108;
	_ =	swait.ge @!p0 [sflag:s8], $0x0  }
0x24: {  	s3 =	sadd.s32 $0x88, s3;
	s6 =	simm.s32 @!p1 $0x1082;
	[sflag:s4] =	ssyncset.s32 $0xFFFFF086  }
0x25: {  	[simem:s6], [sflag:s4] =	dma.local [hbm:s3], $0xF7A  }
0x26: {  	[smem:$0x3F9D] =	sst s1;
	(tag) =	ssettag s2;
	_ =	strace s9  }
0x27: {  	s1 =	sld [smem:$0x3FAD]  }
0x28: {  	s2 =	sld [smem:$0x3FAE]  }
0x29: {  	s4 =	sld [smem:$0x3FB0]  }
0x2a: {  	p0 =	seq.s32 s5, $0x0;
	s5 =	sld [smem:$0x3FB1]  }
0x2b: {  	s6 =	sld [smem:$0x3FB2]  }
0x2c: {  	s7 =	sld [smem:$0x3FB3]  }
0x2d: {  	s3 =	simm.s32 $0x108;
	s8 =	sld [smem:$0x3FB4]  }
0x2e: {  	s3 =	simm.s32 @!p0 $0x1082;
	s9 =	sld [smem:$0x3FB5]  }
0x2f: {  	lr =	sadd.s32 s0, s3;
	s0 =	sld [smem:$0x3FAC]  }
0x30: {  	s3 =	sld [smem:$0x3FAF]  }
0x31: {  	[smem:$0x3FB8] =	sst s10  }
0x32: {  	s10 =	sld [smem:$0x3FB6];
	_ =	sdelay $0x3  }
0x33: {  	p0 =	seq.s32 s10, $0x1;
	s10 =	sld [smem:$0x3FB8];
	_ =	sdelay $0x3  }
0x34: {  	[smem:$0x3FB8] =	sst s10  }
0x35: {  	s10 =	sld [smem:$0x3FB7];
	_ =	sdelay $0x3  }
0x36: {  	p1 =	seq.s32 s10, $0x1;
	s10 =	sld [smem:$0x3FB8];
	_ =	sdelay $0x3  }
0x37: {  	[smem:$0x3FB8] =	sst s10  }
0x38: {  	s10 =	sld [smem:$0x3FB9]  }
0x39: {  	_ = 	snop;
	(pc) =	sbr.ind lr, $3  }
0x3a: {  	_ = 	snop  }
0x3b: {  	_ = 	snop  }
0x3c: {  	p2 =	seq.s32 s10, $0x1;
	s10 =	sld [smem:$0x3FB8]  }
0x3d: {  	_ =	shalt  }
0x3e: {  	_ =	shalt  }
0x3f: {  	_ =	shalt  }
0x40: {  	_ =	shalt  }
0x41: {  	_ =	shalt  }
0x42: {  	_ =	shalt  }
0x43: {  	_ =	shalt  }
0x44: {  	_ =	shalt  }
0x45: {  	_ =	shalt  }
0x46: {  	_ =	shalt  }
0x47: {  	_ =	shalt  }
0x48: {  	_ =	shalt  }
0x49: {  	_ =	shalt  }
0x4a: {  	_ =	shalt  }
0x4b: {  	_ =	shalt  }
0x4c: {  	_ =	shalt  }
0x4d: {  	_ =	shalt  }
0x4e: {  	_ =	shalt  }
0x4f: {  	_ =	shalt  }
0x50: {  	_ =	shalt  }
0x51: {  	_ =	shalt  }
0x52: {  	_ =	shalt  }
0x53: {  	_ =	shalt  }
0x54: {  	_ =	shalt  }
0x55: {  	_ =	shalt  }
0x56: {  	_ =	shalt  }
0x57: {  	_ =	shalt  }
0x58: {  	_ =	shalt  }
0x59: {  	_ =	shalt  }
0x5a: {  	_ =	shalt  }
0x5b: {  	_ =	shalt  }
0x5c: {  	_ =	shalt  }
0x5d: {  	_ =	shalt  }
0x5e: {  	_ =	shalt  }
0x5f: {  	_ =	shalt  }
0x60: {  	_ =	shalt  }
0x61: {  	_ =	shalt  }
0x62: {  	_ =	shalt  }
0x63: {  	_ =	shalt  }
0x64: {  	_ =	shalt  }
0x65: {  	_ =	shalt  }
0x66: {  	_ =	shalt  }
0x67: {  	_ =	shalt  }
0x68: {  	_ =	shalt  }
0x69: {  	_ =	shalt  }
0x6a: {  	_ =	shalt  }
0x6b: {  	_ =	shalt  }
0x6c: {  	_ =	shalt  }
0x6d: {  	_ =	shalt  }
0x6e: {  	_ =	shalt  }
0x6f: {  	_ =	shalt  }
0x70: {  	_ =	shalt  }
0x71: {  	_ =	shalt  }
0x72: {  	_ =	shalt  }
0x73: {  	_ =	shalt  }
0x74: {  	_ =	shalt  }
0x75: {  	_ =	shalt  }
0x76: {  	_ =	shalt  }
0x77: {  	_ =	shalt  }
0x78: {  	_ =	shalt  }
0x79: {  	_ =	shalt  }
0x7a: {  	_ =	shalt  }
0x7b: {  	_ =	shalt  }
0x7c: {  	_ =	shalt  }
0x7d: {  	_ =	shalt  }
0x7e: {  	_ =	shalt  }
0x7f: {  	_ =	shalt  }
0x80: {  	_ =	shalt  }
0x81: {  	_ =	shalt  }
0x82: {  	_ =	shalt  }
0x83: {  	_ =	shalt  }
0x84: {  	_ =	shalt  }
0x85: {  	_ =	shalt  }
0x86: {  	_ =	shalt  }
0x87: {  	_ =	shalt  }
.Lfunc_end0:
.L_simem_size_0:
called_computation.2_lowered:
.L_overlay_start_0:
0x88: {  	s2 =	sld [smem:$0x3FD9]  }
0x89: {  	s3 =	sld [smem:$0x3FFE];
	_ =	sdelay $0x1  }
0x8a: {  	s1 =	srdreg.scid  }
0x8b: {  	s0 =	sand.u32 $0x1, s1  }
0x8c: {  	s17 =	sshll.u32 s0, $0xA;
	s2 =	sadd.s32 s3, s2  }
0x8d: {  	s2 =	sadd.s32 s2, s17  }
0x8e: {  	[smem:$0x3FC4] =	sst s2  }
0x8f: {  	_ = 	snop  }
0x90: {  	s2 =	sld [smem:$0x3FC7];
	(tm) =	ssettm $0x1  }
0x91: {  	s18 =	sld [smem:$0x3FFB];
	_ =	sdelay $0x3  }
0x92: {  	_ =	strace s18  }
0x93: {  	s3 =	sld [smem:$0x3FFC];
	_ =	sdelay $0x3  }
0x94: {  	_ =	strace s3  }
0x95: {  	s3 =	sld [smem:$0x3FFD];
	_ =	sdelay $0x3  }
0x96: {  	_ =	strace s3  }
0x97: {  	_ =	strace $0x8FFFFFFF  }
0x98: {  	s19 =	sld [smem:$0x3FDB];
	_ =	sdelay $0x1  }
0x99: {  	s4 =	simm.s32 $_scs_section_size  }
0x9a: {  	s5 =	simm.s32 $_size__tile_overlayer_lowered;
	s6 =	simm.s32 $_tile_overlayer_lowered  }
0x9b: {  	s22 =	simm.s32 $0x1BFF;
	s21 =	sshll.u32 s6, $0x1;
	s3 =	sadd.s32 s4, s19  }
0x9c: {  	s7 =	simm.s32 $0x0;
	s20 =	sshll.u32 s5, $0x1;
	s5 =	sadd.s32 s21, s3  }
0x9d: {  	[timem:s7], [sflag:s22] =	dma.local [hbm:s5], s20  }
0x9e: {  	_ =	swait.ge [sflag:s22], s20  }
0x9f: {  	s4 =	ssub.s32 $0x0, s20;
	[sflag:s22] =	ssyncset.done $0x0  }
0xa0: {  	[sflag:s22] =	ssyncadd.s32 s4;
	_ =	sdelay $0x1  }
0xa1: {  	s23 =	simm.s32 $0x1B8B  }
0xa2: {  	_ =	swait.ge [sflag:s23], $0x1  }
0xa3: {  	[sflag:s23] =	ssyncset.done $0x0  }
0xa4: {  	s25 =	simm.s32 $0x1B8E;
	s24 =	sld [smem:$0x3FFE];
	[sflag:s23] =	ssyncadd.s32 $0xFFFFFFFF  }
0xa5: {  	s26 =	simm.s32 $execute0_lowered;
	[smem:$0x3FD2] =	sst s25  }
0xa6: {  	s5 =	sshll.u32 s26, $0x1;
	_ =	strace $0x80000046;
	[dreg:$0x1] =	wrdreg $0xFFFFFFFF  }
0xa7: {  	s28 =	simm.s32 $_size_execute0_lowered;
	s3 =	sadd.s32 s3, s5;
	[dreg:$0x0] =	wrdreg $0x0  }
0xa8: {  	s5 =	sshll.u32 s28, $0x1;
	[dreg:$0x2] =	wrdreg s3  }
0xa9: {  	[dreg:$0x3] =	wrdreg s5  }
0xaa: {  	[dreg:$0x4] =	wrdreg $0xC0  }
0xab: {  	_ =	task [dreg:s7], $0x5FFFF  }
0xac: {  	[dreg:$0x1] =	wrdreg $0xFFFFFFFF  }
0xad: {  	[dreg:$0x0] =	wrdreg $0x60  }
0xae: {  	[dreg:$0x2] =	wrdreg s2  }
0xaf: {  	[dreg:$0x3] =	wrdreg s24  }
0xb0: {  	[dreg:$0x4] =	wrdreg $0x9  }
0xb1: {  	_ =	task.clear_ibuf [dreg:s7], $0x5FFFF;
	_ =	strace $0x90000046  }
0xb2: {  	s29 =	simm.s32 $0x9;
	_ =	strace $0x80000048  }
0xb3: {  	_ =	swait.ge [sflag:s29], $0x1  }
0xb4: {  	[sflag:s29] =	ssyncadd.s32 $0xFFFFFFFF  }
0xb5: {  	_ =	strace $0x90000048  }
0xb6: {  	_ =	sfence  }
0xb7: {  	s30 =	sld [smem:$0x0];
	_ =	sdelay $0x2  }
0xb8: {  	s31 =	sshll.u32 s1, $0xD;
	s1 =	sshrl.u32 s1, $0x2  }
0xb9: {  	s3 =	sand.u32 $0x4000, s31;
	s1 =	sadd.s32 s1, s30  }
0xba: {  	s0 =	sor.u32 s3, s0;
	s1 =	sshll.u32 s1, $0x11  }
0xbb: {  	s0 =	sor.u32 s1, s0  }
0xbc: {  	s0 =	sadd.s32 $0x8F2B, s0  }
0xbd: {  	[sflag:s0] =	ssyncadd.remote.s32 $0x1  }
0xbe: {  	_ =	sfence.sel $0xFFFF  }
0xbf: {  	[dreg:$0x0] =	wrdreg $0xFFFFFFFF;
	(pc) =	sbr.abs _section_cstart, $3  }
0xc0: {  	[dreg:$0x1] =	wrdreg $0xFFFFFFFF  }
0xc1: {  	_ =	task.clear_ibuf [dreg:s7], $0x2FFFF;
	_ =	strace $0x9FFFFFFF  }
0xc2: {  	(tm) =	ssettm $0x7FFFFFFF  }
0xc3: {  	_ =	shalt  }
tec
execute0_lowered:
.L_overlay_start_1:
0x0: {  	(tag) =	ssettag $0x1  }
0x1: {  	s1 =	srdreg.scid;
	s2 =	rddreg [dreg:$0x0]  }
0x2: {  	s0 =	stileid.u32;
	s5 =	rddreg [dreg:$0x1];
	s6 =	simm.s32 $0x1  }
0x3: {  	s9 =	simm.s32 $0x1;
	s10 =	simm.s32 $0x3;
	s1 =	sshll.u32 s1, $0x8  }
0x4: {  	s13 =	simm.s32 $0x0;
	s3 =	sshll.u32 s0, $0x9;
	s4 =	sand.u32 $0x100, s1  }
0x5: {  	s12 =	simm.s32 $0x0;
	s1 =	rddreg [dreg:$0x2];
	s3 =	sor.u32 s3, s4  }
0x6: {  	_ =	strace $0x80000047;
	s4 =	sadd.s32 $0x2200, s5;
	s8 =	ssub.s32 $0x4000, s3  }
.Ltmp0:
0x7: {  	s5 =	sadd.s32 $0x1CC800, s5;
	s7 =	sand.u32 $0x1F00, s8;
	(pc) =	sbr.rel .LBB2_1-.Ltmp0, $4  }
0x8: {  	[sflag:s6] =	ssyncpa.u1 $0x0;
	s11 =	smov.u32 s3;
	p0 =	sne.s32 s7, $0x0  }
0x9: {  	s8 =	sshrl.u32 s8, $0xD;
	s7 =	simm.s32 $0x2;
	s9 =	simm.s32 @!p0 $0x0  }
0xa: {  	[sflag:s7] =	ssyncpa.u1 $0x0;
	p0 =	por $0x0, $0x0;
	s8 =	sadd.s32 s9, s8  }
0xb: {  	vm0 =	vmmov $0xffff;
	[sflag:s10] =	ssyncpa.u1 $0x0;
	s10 =	simm.s32 $0x0;
	s9 =	sadd.s32 $0x1, s8  }
.LBB2_4:
0xc: {  	v2 =	vnsel vm1, $0x0, v2  }
0xd: {  	vm1 =	vgt.s32 v0, $0x0;
	v2 =	vmin.u32 v2, $0x3FFF  }
0xe: {  	v0 =	vnsel vm1, $0x0, v0  }
0xf: {  	v0 =	vmin.u32 v0, $0x3FFF  }
0x10: {  	[tilespmem:s15], [sflag:$0x1] =	stream.indirect_vreg.gather [hbm4b:s2+s10], $0x1, v1, vm0, $0x4038;
	[tilespmem:$0x400] =	vst v63  }
0x11: {  	(ifvalue) =	ssetifvalue $0x7FFFFFFF  }
0x12: {  	[tilespmem:s16], [sflag:$0x1] =	stream.indirect_vreg.gather [hbm4b:s2+s10], $0x1, v2, vm0, $0x4038;
	[tilespmem:$0x400] =	vst v63  }
0x13: {  	s29 =	sadd.s32 $0x10, s16;
	(ifvalue) =	ssetifvalue $0x7FFFFFFF  }
0x14: {  	[tilespmem:s29], [sflag:$0x1] =	stream.indirect_vreg.gather [hbm4b:s2+s10], $0x1, v0, vm0, $0x4038;
	[tilespmem:$0x400] =	vst v63  }
0x15: {  	_ =	swait.ge [sflag:s6], $0x100  }
0x16: {  	s30 =	sshrl.u32 s13, $0x3;
	[sflag:s6] =	ssyncset.done $0x0  }
0x17: {  	s31 =	sand.u32 $0x7, s13;
	s15 =	sadd.s32 s5, s30;
	[sflag:s6] =	ssyncadd.s32 $0xFFFFFF00  }
0x18: {  	[hbm4b:s15+s31] =	stream.linear.scatter [tilespmem:s14], [sflag:$0x3], $0x100, $0x38;
	[tilespmem:$0x400] =	vst v63  }
.LBB2_5:
0x19: {  	s15 =	sadd.s32 $0x2000, s11  }
0x1a: {  	p2 =	sgt.s32 s15, $0x3FFF  }
0x1b: {  	s15 =	smov.u32 @p2 s3;
	p2 =	sne.s32 s12, s9  }
.Ltmp1:
0x1c: {  	p1 =	slt.u32 s12, $0x2;
	(pc) =	sbr.rel @!p2 .LBB2_6-.Ltmp1, $4  }
0x1d: {  	s14 =	simm.s32 @!p1 $0x3  }
0x1e: {  	s16 =	sadd.s32 $0x1, s12;
	_ =	swait.ge @!p1 [sflag:s14], $0x100  }
0x1f: {  	s13 =	smov.u32 s11;
	p0 =	por !p0, !p0;
	[sflag:s14] =	ssyncset.done @!p1 $0x0  }
0x20: {  	s12 =	smov.u32 s16;
	s11 =	smov.u32 s15;
	[sflag:s14] =	ssyncadd.s32 @!p1 $0xFFFFFF00  }
.LBB2_1:
0x21: {  	p1 =	sge.u32 s12, s8  }
0x22: {  	s14 =	sxor.u32 @!p1 $0xFFFFFFFF, s12  }
0x23: {  	s31 =	sadd.s32 $0xFFFFFFFF, s12;
	s15 =	sshrl.u32 @!p1 s11, $0x3;
	s14 =	sshll.u32 @!p1 s14, $0x8  }
0x24: {  	s16 =	sand.u32 @!p1 $0x7, s11;
	s15 =	sadd.s32 @!p1 s4, s15;
	s14 =	sand.u32 @!p1 $0x100, s14  }
0x25: {  	[tilespmem:s14], [sflag:$0x2] =	stream.linear.gather @!p1 [hbm4b:s15+s16], $0x100, $0x38;
	[tilespmem:$0x400] =	vst v63  }
0x26: {  	p1 =	sge.u32 s31, s8  }
.Ltmp2:
0x27: {  	_ = 	snop;
	(pc) =	sbr.rel @p1 .LBB2_5-.Ltmp2, $1  }
0x28: {  	_ =	sdelay $0x3  }
0x29: {  	s14 =	simm.s32 $0x1  }
0x2a: {  	_ =	swait.ge [sflag:s7], $0x100;
	s14 =	simm.s32 @!p0 $0x0  }
0x2b: {  	[sflag:s7] =	ssyncset.done $0x0;
	s14 =	sshll.u32 s14, $0x8  }
0x2c: {  	[sflag:s7] =	ssyncadd.s32 $0xFFFFFF00;
	(ifvalue) =	ssetifvalue $0x7FFFFFFF;
	v0 =	vld.msk [tilespmem:s14+$0x0 ss:$0x1], $0xffff;
	_ =	sdelay $0x4  }
0x2d: {  	s15 =	sadd.s32 $0x10, s14;
	vm1 =	vgt.s32 v0, $0x0  }
0x2e: {  	v2 =	vld.msk [tilespmem:s15+$0x0 ss:$0x1], $0xffff;
	v1 =	vnsel vm1, $0x0, v0  }
0x2f: {  	v1 =	vmin.u32 v1, $0x3FFF;
	_ =	sdelay $0x1  }
0x30: {  	s16 =	sshll.u32 s12, $0x8;
	s18 =	simm.s32 $0x20  }
0x31: {  	s16 =	sand.u32 $0x100, s16;
	s17 =	sadd.s32 $0x10, s15;
	s15 =	sor.u32 $0x200, s14  }
0x32: {  	s14 =	sor.u32 $0x200, s16;
	s16 =	sadd.s32 $0x10, s15;
	v0 =	vld.msk [tilespmem:s17+$0x0 ss:$0x1], $0xffff;
	vm1 =	vgt.s32 v2, $0x0;
	(ifvalue) =	ssetifvalue $0x7FFFFFFF  }
.LBB2_3:
0x33: {  	[tilespmem:s15], [sflag:$0x1] =	stream.indirect_vreg.gather [hbm4b:s2+s10], $0x1, v1, vm0, $0x4038;
	[tilespmem:$0x400] =	vst v63  }
0x34: {  	s18 =	sadd.s32 $0x10, s18  }
0x35: {  	v2 =	vnsel vm1, $0x0, v2;
	p1 =	slt.u32 s18, $0xF0  }
.Ltmp3:
0x36: {  	s15 =	smov.u32 s16;
	v1 =	vmin.u32 v2, $0x3FFF;
	(pc) =	sbr.rel @p1 .LBB2_3-.Ltmp3, $3  }
0x37: {  	_ =	sdelay $0x1  }
0x38: {  	s17 =	sadd.s32 $0x10, s17  }
0x39: {  	vm1 =	vgt.s32 v0, $0x0;
	s16 =	sadd.s32 $0x10, s16;
	v2 =	vmov v0;
	(ifvalue) =	ssetifvalue $0x7FFFFFFF;
	v0 =	vld.msk [tilespmem:s17+$0x0 ss:$0x1], $0xffff  }
.Ltmp4:
0x3a: {  	_ = 	snop;
	(pc) =	sbr.rel .LBB2_4-.Ltmp4, $1  }
0x3b: {  	_ =	sdelay $0x3  }
.LBB2_6:
0x3c: {  	_ =	sfence.sel $0x180000  }
0x3d: {  	s2 =	simm.s32 $0x2;
	[bflag:$0x0] =	sbarrier.arrive $0xFFFF  }
0x3e: {  	s30 =	simm.s32 $0x3;
	[sflag:s2] =	ssyncpa.u1 $0x1  }
0x3f: {  	s31 =	simm.s32 $0x1;
	[sflag:s30] =	ssyncpa.u1 $0x1  }
0x40: {  	[sflag:s31] =	ssyncpa.u1 $0x1  }
0x41: {  	p0 =	sne.s32 s0, $0x0;
	_ =	strace $0x90000047  }
0x42: {  	s0 =	sadd.s32 @!p0 $0x100000, s1;
	[bflag:$0x2] =	sbarrier.arrive $0xFFFF  }
0x43: {  	[sflag:s0] =	ssyncadd.tile.s32 @!p0 $0x1;
	_ =	shalt  }
.Lfunc_end2:
_tile_overlayer_lowered:
.L_overlay_start_2:
0x44: {  	(tag) =	ssettag $0x2  }
0x45: {  	s0 =	rddreg [dreg:$0x0];
	s2 =	stileid.u32  }
0x46: {  	s1 =	rddreg [dreg:$0x1];
	p0 =	sne.s32 s2, $0x0  }
0x47: {  	s3 =	rddreg [dreg:$0x2];
	[bflag:$0x3] =	sbarrier.arrive $0xFFFF;
	s2 =	simm.s32 @!p0 $0x1C01  }
0x48: {  	[timem:s3], [sflag:s2] =	dma.local @!p0 [hbm:s0], s1  }
0x49: {  	s0 =	simm.s32 @!p0 $0x1  }
0x4a: {  	_ =	swait.ge @!p0 [sflag:s0], s1  }
0x4b: {  	s1 =	ssub.s32 @!p0 $0x0, s1;
	[sflag:s0] =	ssyncset.done @!p0 $0x0  }
0x4c: {  	[sflag:s0] =	ssyncadd.s32 @!p0 s1  }
0x4d: {  	[bflag:$0x3] =	sbarrier.arrive $0xFFFF  }
0x4e: {  	_ =	shalt  }

// kernel: gather_offload_async_start.3
scs
__scs_entry_jumppad:
0x0: {  	(pc) =	sbr.rel $0x88, $3  }
0x1: {  	(tag) =	ssettag $0x0;
	lr =	simm.s32 $0x1  }
0x2: {  	[smem:$0x3F9D] =	sst lr;
	_ =	strace $0xD0000000  }
0x3: {  	_ = 	snop  }
0x4: {  	_ = 	snop  }
0x5: {  	_ = 	snop  }
0x6: {  	_ = 	snop  }
0x7: {  	_ = 	snop  }
__scs_overlays_trampoline_lowered:
0x8: {  	[smem:$0x3FAC] =	sst s0  }
0x9: {  	[smem:$0x3FAD] =	sst s1  }
0xa: {  	[smem:$0x3FAE] =	sst s2  }
0xb: {  	[smem:$0x3FAF] =	sst s3  }
0xc: {  	[smem:$0x3FB0] =	sst s4  }
0xd: {  	[smem:$0x3FB1] =	sst s5  }
0xe: {  	[smem:$0x3FB2] =	sst s6  }
0xf: {  	[smem:$0x3FB3] =	sst s7  }
0x10: {  	[smem:$0x3FB4] =	sst s8  }
0x11: {  	[smem:$0x3FB5] =	sst s9;
	s0 =	simm.s32 @!p0 $0x0  }
0x12: {  	s1 =	sld [smem:$0x3F9B];
	s0 =	simm.s32 @p0 $0x1  }
0x13: {  	[smem:$0x3FB6] =	sst s0;
	s0 =	simm.s32 @!p1 $0x0  }
0x14: {  	s2 =	sld [smem:$0x3F9A];
	s0 =	simm.s32 @p1 $0x1  }
0x15: {  	[smem:$0x3FB7] =	sst s0;
	s0 =	simm.s32 @!p2 $0x0  }
0x16: {  	s3 =	sld [smem:$0x3FDB];
	s0 =	simm.s32 @p2 $0x1  }
0x17: {  	s4 =	simm.s32 $0x1BF5;
	[smem:$0x3FB9] =	sst s0  }
0x18: {  	s0 =	sld [smem:$0x3F9C];
	_ =	swait.ge [sflag:s4], $0x0  }
0x19: {  	s7 =	sld [smem:$0x3F9D]  }
0x1a: {  	s8 =	sadd.s32 $0xFFFFE003, lr  }
0x1b: {  	s9 =	sadd.s32 $0xFFFFFEF7, lr;
	s5 =	simm.s32 $0xFFFFFFFF;
	p2 =	slt.u32 s8, $0xFFFFF086  }
0x1c: {  	p1 =	slt.u32 s9, $0xF7A;
	s5 =	simm.s32 @!p2 $0x0  }
0x1d: {  	s5 =	simm.s32 @p1 $0x1;
	p0 =	seq.s32 s7, s2  }
0x1e: {  	s7 =	smul.u32 @!p0 $0xF7A, s2;
	p2 =	seq.s32 @!p0 s5, $0x0  }
0x1f: {  	s9 =	smul.u32 $0xF7A, s1;
	s8 =	simm.s32 @!p0 $0x1BF5;
	p2 =	por !p2, p0  }
0x20: {  	[sflag:s8] =	ssyncset.s32 @!p0 $0xFFFFF086;
	s6 =	sadd.s32 @!p0 s3, s7;
	s7 =	simm.s32 @!p0 $0x108  }
0x21: {  	s3 =	sadd.s32 s3, s9;
	s6 =	sadd.s32 @!p0 $0x88, s6;
	s7 =	simm.s32 @p2 $0x1082  }
0x22: {  	[simem:s7], [sflag:s8] =	dma.local @!p0 [hbm:s6], $0xF7A  }
0x23: {  	s9 =	sor.u32 $0xD0000000, s2;
	s6 =	simm.s32 $0x108;
	_ =	swait.ge @!p0 [sflag:s8], $0x0  }
0x24: {  	s3 =	sadd.s32 $0x88, s3;
	s6 =	simm.s32 @!p1 $0x1082;
	[sflag:s4] =	ssyncset.s32 $0xFFFFF086  }
0x25: {  	[simem:s6], [sflag:s4] =	dma.local [hbm:s3], $0xF7A  }
0x26: {  	[smem:$0x3F9D] =	sst s1;
	(tag) =	ssettag s2;
	_ =	strace s9  }
0x27: {  	s1 =	sld [smem:$0x3FAD]  }
0x28: {  	s2 =	sld [smem:$0x3FAE]  }
0x29: {  	s4 =	sld [smem:$0x3FB0]  }
0x2a: {  	p0 =	seq.s32 s5, $0x0;
	s5 =	sld [smem:$0x3FB1]  }
0x2b: {  	s6 =	sld [smem:$0x3FB2]  }
0x2c: {  	s7 =	sld [smem:$0x3FB3]  }
0x2d: {  	s3 =	simm.s32 $0x108;
	s8 =	sld [smem:$0x3FB4]  }
0x2e: {  	s3 =	simm.s32 @!p0 $0x1082;
	s9 =	sld [smem:$0x3FB5]  }
0x2f: {  	lr =	sadd.s32 s0, s3;
	s0 =	sld [smem:$0x3FAC]  }
0x30: {  	s3 =	sld [smem:$0x3FAF]  }
0x31: {  	[smem:$0x3FB8] =	sst s10  }
0x32: {  	s10 =	sld [smem:$0x3FB6];
	_ =	sdelay $0x3  }
0x33: {  	p0 =	seq.s32 s10, $0x1;
	s10 =	sld [smem:$0x3FB8];
	_ =	sdelay $0x3  }
0x34: {  	[smem:$0x3FB8] =	sst s10  }
0x35: {  	s10 =	sld [smem:$0x3FB7];
	_ =	sdelay $0x3  }
0x36: {  	p1 =	seq.s32 s10, $0x1;
	s10 =	sld [smem:$0x3FB8];
	_ =	sdelay $0x3  }
0x37: {  	[smem:$0x3FB8] =	sst s10  }
0x38: {  	s10 =	sld [smem:$0x3FB9]  }
0x39: {  	_ = 	snop;
	(pc) =	sbr.ind lr, $3  }
0x3a: {  	_ = 	snop  }
0x3b: {  	_ = 	snop  }
0x3c: {  	p2 =	seq.s32 s10, $0x1;
	s10 =	sld [smem:$0x3FB8]  }
0x3d: {  	_ =	shalt  }
0x3e: {  	_ =	shalt  }
0x3f: {  	_ =	shalt  }
0x40: {  	_ =	shalt  }
0x41: {  	_ =	shalt  }
0x42: {  	_ =	shalt  }
0x43: {  	_ =	shalt  }
0x44: {  	_ =	shalt  }
0x45: {  	_ =	shalt  }
0x46: {  	_ =	shalt  }
0x47: {  	_ =	shalt  }
0x48: {  	_ =	shalt  }
0x49: {  	_ =	shalt  }
0x4a: {  	_ =	shalt  }
0x4b: {  	_ =	shalt  }
0x4c: {  	_ =	shalt  }
0x4d: {  	_ =	shalt  }
0x4e: {  	_ =	shalt  }
0x4f: {  	_ =	shalt  }
0x50: {  	_ =	shalt  }
0x51: {  	_ =	shalt  }
0x52: {  	_ =	shalt  }
0x53: {  	_ =	shalt  }
0x54: {  	_ =	shalt  }
0x55: {  	_ =	shalt  }
0x56: {  	_ =	shalt  }
0x57: {  	_ =	shalt  }
0x58: {  	_ =	shalt  }
0x59: {  	_ =	shalt  }
0x5a: {  	_ =	shalt  }
0x5b: {  	_ =	shalt  }
0x5c: {  	_ =	shalt  }
0x5d: {  	_ =	shalt  }
0x5e: {  	_ =	shalt  }
0x5f: {  	_ =	shalt  }
0x60: {  	_ =	shalt  }
0x61: {  	_ =	shalt  }
0x62: {  	_ =	shalt  }
0x63: {  	_ =	shalt  }
0x64: {  	_ =	shalt  }
0x65: {  	_ =	shalt  }
0x66: {  	_ =	shalt  }
0x67: {  	_ =	shalt  }
0x68: {  	_ =	shalt  }
0x69: {  	_ =	shalt  }
0x6a: {  	_ =	shalt  }
0x6b: {  	_ =	shalt  }
0x6c: {  	_ =	shalt  }
0x6d: {  	_ =	shalt  }
0x6e: {  	_ =	shalt  }
0x6f: {  	_ =	shalt  }
0x70: {  	_ =	shalt  }
0x71: {  	_ =	shalt  }
0x72: {  	_ =	shalt  }
0x73: {  	_ =	shalt  }
0x74: {  	_ =	shalt  }
0x75: {  	_ =	shalt  }
0x76: {  	_ =	shalt  }
0x77: {  	_ =	shalt  }
0x78: {  	_ =	shalt  }
0x79: {  	_ =	shalt  }
0x7a: {  	_ =	shalt  }
0x7b: {  	_ =	shalt  }
0x7c: {  	_ =	shalt  }
0x7d: {  	_ =	shalt  }
0x7e: {  	_ =	shalt  }
0x7f: {  	_ =	shalt  }
0x80: {  	_ =	shalt  }
0x81: {  	_ =	shalt  }
0x82: {  	_ =	shalt  }
0x83: {  	_ =	shalt  }
0x84: {  	_ =	shalt  }
0x85: {  	_ =	shalt  }
0x86: {  	_ =	shalt  }
0x87: {  	_ =	shalt  }
.Lfunc_end0:
.L_simem_size_0:
called_computation.3_lowered:
.L_overlay_start_0:
0x88: {  	s2 =	sld [smem:$0x3FD9]  }
0x89: {  	s3 =	sld [smem:$0x3FFE];
	_ =	sdelay $0x1  }
0x8a: {  	s1 =	srdreg.scid  }
0x8b: {  	s0 =	sand.u32 $0x1, s1  }
0x8c: {  	s17 =	sshll.u32 s0, $0xA;
	s2 =	sadd.s32 s3, s2  }
0x8d: {  	s2 =	sadd.s32 s2, s17  }
0x8e: {  	[smem:$0x3FC4] =	sst s2  }
0x8f: {  	_ = 	snop  }
0x90: {  	s2 =	sld [smem:$0x3FC6];
	(tm) =	ssettm $0x1  }
0x91: {  	s18 =	sld [smem:$0x3FFB];
	_ =	sdelay $0x3  }
0x92: {  	_ =	strace s18  }
0x93: {  	s3 =	sld [smem:$0x3FFC];
	_ =	sdelay $0x3  }
0x94: {  	_ =	strace s3  }
0x95: {  	s3 =	sld [smem:$0x3FFD];
	_ =	sdelay $0x3  }
0x96: {  	_ =	strace s3  }
0x97: {  	_ =	strace $0x8FFFFFFF  }
0x98: {  	s19 =	sld [smem:$0x3FDB];
	_ =	sdelay $0x1  }
0x99: {  	s4 =	simm.s32 $_scs_section_size  }
0x9a: {  	s5 =	simm.s32 $_size__tile_overlayer_lowered;
	s6 =	simm.s32 $_tile_overlayer_lowered  }
0x9b: {  	s22 =	simm.s32 $0x1BFF;
	s21 =	sshll.u32 s6, $0x1;
	s3 =	sadd.s32 s4, s19  }
0x9c: {  	s7 =	simm.s32 $0x0;
	s20 =	sshll.u32 s5, $0x1;
	s5 =	sadd.s32 s21, s3  }
0x9d: {  	[timem:s7], [sflag:s22] =	dma.local [hbm:s5], s20  }
0x9e: {  	_ =	swait.ge [sflag:s22], s20  }
0x9f: {  	s4 =	ssub.s32 $0x0, s20;
	[sflag:s22] =	ssyncset.done $0x0  }
0xa0: {  	[sflag:s22] =	ssyncadd.s32 s4;
	_ =	sdelay $0x1  }
0xa1: {  	s23 =	simm.s32 $0x1B8B  }
0xa2: {  	_ =	swait.ge [sflag:s23], $0x1  }
0xa3: {  	[sflag:s23] =	ssyncset.done $0x0  }
0xa4: {  	s25 =	simm.s32 $0x1B8E;
	s24 =	sld [smem:$0x3FFE];
	[sflag:s23] =	ssyncadd.s32 $0xFFFFFFFF  }
0xa5: {  	s26 =	simm.s32 $execute0_lowered;
	[smem:$0x3FD2] =	sst s25  }
0xa6: {  	s5 =	sshll.u32 s26, $0x1;
	_ =	strace $0x80000049;
	[dreg:$0x1] =	wrdreg $0xFFFFFFFF  }
0xa7: {  	s28 =	simm.s32 $_size_execute0_lowered;
	s3 =	sadd.s32 s3, s5;
	[dreg:$0x0] =	wrdreg $0x0  }
0xa8: {  	s5 =	sshll.u32 s28, $0x1;
	[dreg:$0x2] =	wrdreg s3  }
0xa9: {  	[dreg:$0x3] =	wrdreg s5  }
0xaa: {  	[dreg:$0x4] =	wrdreg $0xC0  }
0xab: {  	_ =	task [dreg:s7], $0x5FFFF  }
0xac: {  	[dreg:$0x1] =	wrdreg $0xFFFFFFFF  }
0xad: {  	[dreg:$0x0] =	wrdreg $0x60  }
0xae: {  	[dreg:$0x2] =	wrdreg s2  }
0xaf: {  	[dreg:$0x3] =	wrdreg s24  }
0xb0: {  	[dreg:$0x4] =	wrdreg $0x9  }
0xb1: {  	_ =	task.clear_ibuf [dreg:s7], $0x5FFFF;
	_ =	strace $0x90000049  }
0xb2: {  	s29 =	simm.s32 $0x9;
	_ =	strace $0x8000004B  }
0xb3: {  	_ =	swait.ge [sflag:s29], $0x1  }
0xb4: {  	[sflag:s29] =	ssyncadd.s32 $0xFFFFFFFF  }
0xb5: {  	_ =	strace $0x9000004B  }
0xb6: {  	_ =	sfence  }
0xb7: {  	s30 =	sld [smem:$0x0];
	_ =	sdelay $0x2  }
0xb8: {  	s31 =	sshll.u32 s1, $0xD;
	s1 =	sshrl.u32 s1, $0x2  }
0xb9: {  	s3 =	sand.u32 $0x4000, s31;
	s1 =	sadd.s32 s1, s30  }
0xba: {  	s0 =	sor.u32 s3, s0;
	s1 =	sshll.u32 s1, $0x11  }
0xbb: {  	s0 =	sor.u32 s1, s0  }
0xbc: {  	s0 =	sadd.s32 $0x8F2B, s0  }
0xbd: {  	[sflag:s0] =	ssyncadd.remote.s32 $0x1  }
0xbe: {  	_ =	sfence.sel $0xFFFF  }
0xbf: {  	[dreg:$0x0] =	wrdreg $0xFFFFFFFF;
	(pc) =	sbr.abs _section_cstart, $3  }
0xc0: {  	[dreg:$0x1] =	wrdreg $0xFFFFFFFF  }
0xc1: {  	_ =	task.clear_ibuf [dreg:s7], $0x2FFFF;
	_ =	strace $0x9FFFFFFF  }
0xc2: {  	(tm) =	ssettm $0x7FFFFFFF  }
0xc3: {  	_ =	shalt  }
tec
execute0_lowered:
.L_overlay_start_1:
0x0: {  	(tag) =	ssettag $0x1  }
0x1: {  	s2 =	rddreg [dreg:$0x0]  }
0x2: {  	s8 =	rddreg [dreg:$0x1]  }
0x3: {  	s0 =	rddreg [dreg:$0x2];
	s1 =	stileid.u32  }
0x4: {  	s3 =	srdreg.scid;
	_ =	strace $0x8000004A;
	s4 =	simm.s32 $0x1  }
0x5: {  	s7 =	simm.s32 $0x1;
	s9 =	simm.s32 $0x1;
	s10 =	simm.s32 $0x3  }
0x6: {  	s13 =	simm.s32 $0x0;
	s5 =	sand.u32 $0x1, s3;
	s6 =	sshll.u32 s1, $0x1  }
0x7: {  	s12 =	simm.s32 $0x0;
	s3 =	sadd.s32 $0x2A00, s8;
	s5 =	sor.u32 s6, s5  }
.Ltmp0:
0x8: {  	[sflag:s4] =	ssyncpa.u1 $0x0;
	p0 =	slt.u32 s5, $0x13;
	(pc) =	sbr.rel .LBB2_1-.Ltmp0, $4  }
0x9: {  	s6 =	simm.s32 $0x2;
	s7 =	simm.s32 @!p0 $0x0;
	p0 =	sne.s32 s5, $0x12  }
0xa: {  	[sflag:s6] =	ssyncpa.u1 $0x0;
	s5 =	smul.u32 $0x7D0, s5;
	s9 =	simm.s32 @!p0 $0x0  }
0xb: {  	s8 =	sadd.s32 $0x353C00, s8;
	[sflag:s10] =	ssyncpa.u1 $0x0;
	s7 =	sadd.s32 s9, s7  }
0xc: {  	vm0 =	vmmov $0xffff;
	s10 =	simm.s32 $0x0;
	s11 =	smov.u32 s5;
	s9 =	sadd.s32 $0x1, s7  }
.LBB2_4:
0xd: {  	v2 =	vnsel vm1, $0x0, v2  }
0xe: {  	vm1 =	vgt.s32 v0, $0x0;
	v2 =	vmin.u32 v2, $0x1869F  }
0xf: {  	v0 =	vnsel vm1, $0x0, v0  }
0x10: {  	v0 =	vmin.u32 v0, $0x1869F  }
0x11: {  	[tilespmem:s18], [sflag:$0x1] =	stream.indirect_vreg.gather [hbm4b:s2+s10], $0x1, v1, vm0, $0x4038;
	[tilespmem:$0x1F40] =	vst v63  }
0x12: {  	(ifvalue) =	ssetifvalue $0x7FFFFFFF  }
0x13: {  	[tilespmem:s15], [sflag:$0x1] =	stream.indirect_vreg.gather [hbm4b:s2+s10], $0x1, v2, vm0, $0x4038;
	[tilespmem:$0x1F40] =	vst v63  }
0x14: {  	s29 =	sadd.s32 $0x10, s15;
	(ifvalue) =	ssetifvalue $0x7FFFFFFF  }
0x15: {  	[tilespmem:s29], [sflag:$0x1] =	stream.indirect_vreg.gather [hbm4b:s2+s10], $0x1, v0, vm0, $0x4038;
	[tilespmem:$0x1F40] =	vst v63  }
0x16: {  	_ =	swait.ge [sflag:s4], $0x7D0  }
0x17: {  	s30 =	sshrl.u32 s13, $0x3;
	[sflag:s4] =	ssyncset.done $0x0  }
0x18: {  	s31 =	sand.u32 $0x7, s13;
	s15 =	sadd.s32 s8, s30;
	[sflag:s4] =	ssyncadd.s32 $0xFFFFF830  }
0x19: {  	[hbm4b:s15+s31] =	stream.linear.scatter [tilespmem:s14], [sflag:$0x3], $0x7D0, $0x38;
	[tilespmem:$0x1F40] =	vst v63  }
.LBB2_5:
0x1a: {  	s15 =	sadd.s32 $0xFA00, s11  }
0x1b: {  	p1 =	sgt.s32 s15, $0x1869F  }
0x1c: {  	s15 =	smov.u32 @p1 s5;
	p1 =	sne.s32 s12, s9  }
.Ltmp1:
0x1d: {  	p0 =	slt.u32 s12, $0x2;
	(pc) =	sbr.rel @!p1 .LBB2_6-.Ltmp1, $4  }
0x1e: {  	s14 =	simm.s32 @!p0 $0x3  }
0x1f: {  	_ =	swait.ge @!p0 [sflag:s14], $0x7D0  }
0x20: {  	s16 =	sadd.s32 $0x1, s12;
	s13 =	smov.u32 s11;
	[sflag:s14] =	ssyncset.done @!p0 $0x0  }
0x21: {  	s12 =	smov.u32 s16;
	s11 =	smov.u32 s15;
	[sflag:s14] =	ssyncadd.s32 @!p0 $0xFFFFF830  }
.LBB2_1:
0x22: {  	p0 =	sge.u32 s12, s7  }
0x23: {  	s14 =	sxor.u32 @!p0 $0x1, s12  }
0x24: {  	s14 =	smul.u32 @!p0 $0x1F40, s14  }
0x25: {  	s31 =	sadd.s32 $0xFFFFFFFF, s12;
	s15 =	sshrl.u32 @!p0 s11, $0x3  }
0x26: {  	s16 =	sand.u32 @!p0 $0x7, s11;
	s15 =	sadd.s32 @!p0 s3, s15;
	s14 =	sshra.s32 @!p0 s14, $0x2  }
0x27: {  	[tilespmem:s14], [sflag:$0x2] =	stream.linear.gather @!p0 [hbm4b:s15+s16], $0x7D0, $0x38;
	[tilespmem:$0x1F40] =	vst v63  }
0x28: {  	p0 =	sge.u32 s31, s7  }
.Ltmp2:
0x29: {  	_ = 	snop;
	(pc) =	sbr.rel @p0 .LBB2_5-.Ltmp2, $1  }
0x2a: {  	_ =	sdelay $0x3  }
0x2b: {  	s14 =	sand.u32 $0x1, s12  }
0x2c: {  	_ =	swait.ge [sflag:s6], $0x7D0;
	p0 =	seq.s32 s14, $0x1;
	s14 =	simm.s32 $0x7D0  }
0x2d: {  	[sflag:s6] =	ssyncset.done $0x0;
	s14 =	simm.s32 @!p0 $0x0  }
0x2e: {  	[sflag:s6] =	ssyncadd.s32 $0xFFFFF830;
	(ifvalue) =	ssetifvalue $0x7FFFFFFF;
	v0 =	vld.msk [tilespmem:s14+$0x0 ss:$0x1], $0xffff;
	_ =	sdelay $0x4  }
0x2f: {  	s15 =	sadd.s32 $0x10, s14;
	vm1 =	vgt.s32 v0, $0x0  }
0x30: {  	v2 =	vld.msk [tilespmem:s15+$0x0 ss:$0x1], $0xffff;
	v1 =	vnsel vm1, $0x0, v0  }
0x31: {  	v1 =	vmin.u32 v1, $0x1869F;
	_ =	sdelay $0x2  }
0x32: {  	s17 =	simm.s32 $0x20;
	s14 =	sadd.s32 $0xFA0, s14;
	s16 =	sadd.s32 $0x10, s15  }
0x33: {  	s15 =	sadd.s32 $0x10, s14;
	s18 =	smov.u32 s14;
	v0 =	vld.msk [tilespmem:s16+$0x0 ss:$0x1], $0xffff;
	vm1 =	vgt.s32 v2, $0x0;
	(ifvalue) =	ssetifvalue $0x7FFFFFFF  }
.LBB2_3:
0x34: {  	[tilespmem:s18], [sflag:$0x1] =	stream.indirect_vreg.gather [hbm4b:s2+s10], $0x1, v1, vm0, $0x4038;
	[tilespmem:$0x1F40] =	vst v63  }
0x35: {  	s17 =	sadd.s32 $0x10, s17  }
0x36: {  	v2 =	vnsel vm1, $0x0, v2;
	p0 =	slt.u32 s17, $0x7C0  }
.Ltmp3:
0x37: {  	s18 =	smov.u32 s15;
	v1 =	vmin.u32 v2, $0x1869F;
	(pc) =	sbr.rel @p0 .LBB2_3-.Ltmp3, $3  }
0x38: {  	_ =	sdelay $0x1  }
0x39: {  	s16 =	sadd.s32 $0x10, s16  }
0x3a: {  	vm1 =	vgt.s32 v0, $0x0;
	s15 =	sadd.s32 $0x10, s15;
	v2 =	vmov v0;
	(ifvalue) =	ssetifvalue $0x7FFFFFFF;
	v0 =	vld.msk [tilespmem:s16+$0x0 ss:$0x1], $0xffff  }
.Ltmp4:
0x3b: {  	_ = 	snop;
	(pc) =	sbr.rel .LBB2_4-.Ltmp4, $1  }
0x3c: {  	_ =	sdelay $0x3  }
.LBB2_6:
0x3d: {  	_ =	sfence.sel $0x180000  }
0x3e: {  	s2 =	simm.s32 $0x2;
	[bflag:$0x0] =	sbarrier.arrive $0xFFFF  }
0x3f: {  	s30 =	simm.s32 $0x3;
	[sflag:s2] =	ssyncpa.u1 $0x1  }
0x40: {  	s31 =	simm.s32 $0x1;
	[sflag:s30] =	ssyncpa.u1 $0x1  }
0x41: {  	[sflag:s31] =	ssyncpa.u1 $0x1  }
0x42: {  	p0 =	sne.s32 s1, $0x0;
	_ =	strace $0x9000004A  }
0x43: {  	s0 =	sadd.s32 @!p0 $0x100000, s0;
	[bflag:$0x2] =	sbarrier.arrive $0xFFFF  }
0x44: {  	[sflag:s0] =	ssyncadd.tile.s32 @!p0 $0x1;
	_ =	shalt  }
.Lfunc_end2:
_tile_overlayer_lowered:
.L_overlay_start_2:
0x45: {  	(tag) =	ssettag $0x2  }
0x46: {  	s0 =	rddreg [dreg:$0x0];
	s2 =	stileid.u32  }
0x47: {  	s1 =	rddreg [dreg:$0x1];
	p0 =	sne.s32 s2, $0x0  }
0x48: {  	s3 =	rddreg [dreg:$0x2];
	[bflag:$0x3] =	sbarrier.arrive $0xFFFF;
	s2 =	simm.s32 @!p0 $0x1C01  }
0x49: {  	[timem:s3], [sflag:s2] =	dma.local @!p0 [hbm:s0], s1  }
0x4a: {  	s0 =	simm.s32 @!p0 $0x1  }
0x4b: {  	_ =	swait.ge @!p0 [sflag:s0], s1  }
0x4c: {  	s1 =	ssub.s32 @!p0 $0x0, s1;
	[sflag:s0] =	ssyncset.done @!p0 $0x0  }
0x4d: {  	[sflag:s0] =	ssyncadd.s32 @!p0 s1  }
0x4e: {  	[bflag:$0x3] =	sbarrier.arrive $0xFFFF  }
0x4f: {  	_ =	shalt  }

// kernel: gather_offload_async_start.4
scs
__scs_entry_jumppad:
0x0: {  	(pc) =	sbr.rel $0x88, $3  }
0x1: {  	(tag) =	ssettag $0x0;
	lr =	simm.s32 $0x1  }
0x2: {  	[smem:$0x3F9D] =	sst lr;
	_ =	strace $0xD0000000  }
0x3: {  	_ = 	snop  }
0x4: {  	_ = 	snop  }
0x5: {  	_ = 	snop  }
0x6: {  	_ = 	snop  }
0x7: {  	_ = 	snop  }
__scs_overlays_trampoline_lowered:
0x8: {  	[smem:$0x3FAC] =	sst s0  }
0x9: {  	[smem:$0x3FAD] =	sst s1  }
0xa: {  	[smem:$0x3FAE] =	sst s2  }
0xb: {  	[smem:$0x3FAF] =	sst s3  }
0xc: {  	[smem:$0x3FB0] =	sst s4  }
0xd: {  	[smem:$0x3FB1] =	sst s5  }
0xe: {  	[smem:$0x3FB2] =	sst s6  }
0xf: {  	[smem:$0x3FB3] =	sst s7  }
0x10: {  	[smem:$0x3FB4] =	sst s8  }
0x11: {  	[smem:$0x3FB5] =	sst s9;
	s0 =	simm.s32 @!p0 $0x0  }
0x12: {  	s1 =	sld [smem:$0x3F9B];
	s0 =	simm.s32 @p0 $0x1  }
0x13: {  	[smem:$0x3FB6] =	sst s0;
	s0 =	simm.s32 @!p1 $0x0  }
0x14: {  	s2 =	sld [smem:$0x3F9A];
	s0 =	simm.s32 @p1 $0x1  }
0x15: {  	[smem:$0x3FB7] =	sst s0;
	s0 =	simm.s32 @!p2 $0x0  }
0x16: {  	s3 =	sld [smem:$0x3FDB];
	s0 =	simm.s32 @p2 $0x1  }
0x17: {  	s4 =	simm.s32 $0x1BF5;
	[smem:$0x3FB9] =	sst s0  }
0x18: {  	s0 =	sld [smem:$0x3F9C];
	_ =	swait.ge [sflag:s4], $0x0  }
0x19: {  	s7 =	sld [smem:$0x3F9D]  }
0x1a: {  	s8 =	sadd.s32 $0xFFFFE003, lr  }
0x1b: {  	s9 =	sadd.s32 $0xFFFFFEF7, lr;
	s5 =	simm.s32 $0xFFFFFFFF;
	p2 =	slt.u32 s8, $0xFFFFF086  }
0x1c: {  	p1 =	slt.u32 s9, $0xF7A;
	s5 =	simm.s32 @!p2 $0x0  }
0x1d: {  	s5 =	simm.s32 @p1 $0x1;
	p0 =	seq.s32 s7, s2  }
0x1e: {  	s7 =	smul.u32 @!p0 $0xF7A, s2;
	p2 =	seq.s32 @!p0 s5, $0x0  }
0x1f: {  	s9 =	smul.u32 $0xF7A, s1;
	s8 =	simm.s32 @!p0 $0x1BF5;
	p2 =	por !p2, p0  }
0x20: {  	[sflag:s8] =	ssyncset.s32 @!p0 $0xFFFFF086;
	s6 =	sadd.s32 @!p0 s3, s7;
	s7 =	simm.s32 @!p0 $0x108  }
0x21: {  	s3 =	sadd.s32 s3, s9;
	s6 =	sadd.s32 @!p0 $0x88, s6;
	s7 =	simm.s32 @p2 $0x1082  }
0x22: {  	[simem:s7], [sflag:s8] =	dma.local @!p0 [hbm:s6], $0xF7A  }
0x23: {  	s9 =	sor.u32 $0xD0000000, s2;
	s6 =	simm.s32 $0x108;
	_ =	swait.ge @!p0 [sflag:s8], $0x0  }
0x24: {  	s3 =	sadd.s32 $0x88, s3;
	s6 =	simm.s32 @!p1 $0x1082;
	[sflag:s4] =	ssyncset.s32 $0xFFFFF086  }
0x25: {  	[simem:s6], [sflag:s4] =	dma.local [hbm:s3], $0xF7A  }
0x26: {  	[smem:$0x3F9D] =	sst s1;
	(tag) =	ssettag s2;
	_ =	strace s9  }
0x27: {  	s1 =	sld [smem:$0x3FAD]  }
0x28: {  	s2 =	sld [smem:$0x3FAE]  }
0x29: {  	s4 =	sld [smem:$0x3FB0]  }
0x2a: {  	p0 =	seq.s32 s5, $0x0;
	s5 =	sld [smem:$0x3FB1]  }
0x2b: {  	s6 =	sld [smem:$0x3FB2]  }
0x2c: {  	s7 =	sld [smem:$0x3FB3]  }
0x2d: {  	s3 =	simm.s32 $0x108;
	s8 =	sld [smem:$0x3FB4]  }
0x2e: {  	s3 =	simm.s32 @!p0 $0x1082;
	s9 =	sld [smem:$0x3FB5]  }
0x2f: {  	lr =	sadd.s32 s0, s3;
	s0 =	sld [smem:$0x3FAC]  }
0x30: {  	s3 =	sld [smem:$0x3FAF]  }
0x31: {  	[smem:$0x3FB8] =	sst s10  }
0x32: {  	s10 =	sld [smem:$0x3FB6];
	_ =	sdelay $0x3  }
0x33: {  	p0 =	seq.s32 s10, $0x1;
	s10 =	sld [smem:$0x3FB8];
	_ =	sdelay $0x3  }
0x34: {  	[smem:$0x3FB8] =	sst s10  }
0x35: {  	s10 =	sld [smem:$0x3FB7];
	_ =	sdelay $0x3  }
0x36: {  	p1 =	seq.s32 s10, $0x1;
	s10 =	sld [smem:$0x3FB8];
	_ =	sdelay $0x3  }
0x37: {  	[smem:$0x3FB8] =	sst s10  }
0x38: {  	s10 =	sld [smem:$0x3FB9]  }
0x39: {  	_ = 	snop;
	(pc) =	sbr.ind lr, $3  }
0x3a: {  	_ = 	snop  }
0x3b: {  	_ = 	snop  }
0x3c: {  	p2 =	seq.s32 s10, $0x1;
	s10 =	sld [smem:$0x3FB8]  }
0x3d: {  	_ =	shalt  }
0x3e: {  	_ =	shalt  }
0x3f: {  	_ =	shalt  }
0x40: {  	_ =	shalt  }
0x41: {  	_ =	shalt  }
0x42: {  	_ =	shalt  }
0x43: {  	_ =	shalt  }
0x44: {  	_ =	shalt  }
0x45: {  	_ =	shalt  }
0x46: {  	_ =	shalt  }
0x47: {  	_ =	shalt  }
0x48: {  	_ =	shalt  }
0x49: {  	_ =	shalt  }
0x4a: {  	_ =	shalt  }
0x4b: {  	_ =	shalt  }
0x4c: {  	_ =	shalt  }
0x4d: {  	_ =	shalt  }
0x4e: {  	_ =	shalt  }
0x4f: {  	_ =	shalt  }
0x50: {  	_ =	shalt  }
0x51: {  	_ =	shalt  }
0x52: {  	_ =	shalt  }
0x53: {  	_ =	shalt  }
0x54: {  	_ =	shalt  }
0x55: {  	_ =	shalt  }
0x56: {  	_ =	shalt  }
0x57: {  	_ =	shalt  }
0x58: {  	_ =	shalt  }
0x59: {  	_ =	shalt  }
0x5a: {  	_ =	shalt  }
0x5b: {  	_ =	shalt  }
0x5c: {  	_ =	shalt  }
0x5d: {  	_ =	shalt  }
0x5e: {  	_ =	shalt  }
0x5f: {  	_ =	shalt  }
0x60: {  	_ =	shalt  }
0x61: {  	_ =	shalt  }
0x62: {  	_ =	shalt  }
0x63: {  	_ =	shalt  }
0x64: {  	_ =	shalt  }
0x65: {  	_ =	shalt  }
0x66: {  	_ =	shalt  }
0x67: {  	_ =	shalt  }
0x68: {  	_ =	shalt  }
0x69: {  	_ =	shalt  }
0x6a: {  	_ =	shalt  }
0x6b: {  	_ =	shalt  }
0x6c: {  	_ =	shalt  }
0x6d: {  	_ =	shalt  }
0x6e: {  	_ =	shalt  }
0x6f: {  	_ =	shalt  }
0x70: {  	_ =	shalt  }
0x71: {  	_ =	shalt  }
0x72: {  	_ =	shalt  }
0x73: {  	_ =	shalt  }
0x74: {  	_ =	shalt  }
0x75: {  	_ =	shalt  }
0x76: {  	_ =	shalt  }
0x77: {  	_ =	shalt  }
0x78: {  	_ =	shalt  }
0x79: {  	_ =	shalt  }
0x7a: {  	_ =	shalt  }
0x7b: {  	_ =	shalt  }
0x7c: {  	_ =	shalt  }
0x7d: {  	_ =	shalt  }
0x7e: {  	_ =	shalt  }
0x7f: {  	_ =	shalt  }
0x80: {  	_ =	shalt  }
0x81: {  	_ =	shalt  }
0x82: {  	_ =	shalt  }
0x83: {  	_ =	shalt  }
0x84: {  	_ =	shalt  }
0x85: {  	_ =	shalt  }
0x86: {  	_ =	shalt  }
0x87: {  	_ =	shalt  }
.Lfunc_end0:
.L_simem_size_0:
called_computation.4_lowered:
.L_overlay_start_0:
0x88: {  	s2 =	sld [smem:$0x3FD9]  }
0x89: {  	s3 =	sld [smem:$0x3FFE];
	_ =	sdelay $0x1  }
0x8a: {  	s1 =	srdreg.scid  }
0x8b: {  	s0 =	sand.u32 $0x1, s1  }
0x8c: {  	s14 =	sshll.u32 s0, $0xA;
	s2 =	sadd.s32 s3, s2  }
0x8d: {  	s2 =	sadd.s32 s2, s14  }
0x8e: {  	[smem:$0x3FC4] =	sst s2  }
0x8f: {  	_ = 	snop  }
0x90: {  	s2 =	sld [smem:$0x3FD0];
	_ =	sdelay $0x2  }
0x91: {  	s15 =	simm.s32 $0xB;
	s4 =	simm.s32 $0x10  }
0x92: {  	[smem:s4], [sflag:s15] =	dma.local [hbm:s2], $0x1  }
0x93: {  	_ =	swait.eq [sflag:s15], $0x1  }
0x94: {  	[sflag:s15] =	ssyncset.done $0x0  }
0x95: {  	[sflag:s15] =	ssyncadd.s32 $0xFFFFFFFF  }
0x96: {  	s16 =	sld [smem:$0x11];
	(tm) =	ssettm $0x1  }
0x97: {  	s17 =	sld [smem:$0x3FFB];
	_ =	sdelay $0x3  }
0x98: {  	_ =	strace s17  }
0x99: {  	s3 =	sld [smem:$0x3FFC];
	_ =	sdelay $0x3  }
0x9a: {  	_ =	strace s3  }
0x9b: {  	s3 =	sld [smem:$0x3FFD];
	_ =	sdelay $0x3  }
0x9c: {  	_ =	strace s3  }
0x9d: {  	_ =	strace $0x8FFFFFFF  }
0x9e: {  	s18 =	sld [smem:$0x3FDB];
	_ =	sdelay $0x1  }
0x9f: {  	s19 =	simm.s32 $_scs_section_size  }
0xa0: {  	s5 =	simm.s32 $_size__tile_overlayer_lowered;
	s6 =	simm.s32 $_tile_overlayer_lowered  }
0xa1: {  	s22 =	simm.s32 $0x1BFF;
	s21 =	sshll.u32 s6, $0x1;
	s3 =	sadd.s32 s19, s18  }
0xa2: {  	s7 =	simm.s32 $0x0;
	s20 =	sshll.u32 s5, $0x1;
	s5 =	sadd.s32 s21, s3  }
0xa3: {  	[timem:s7], [sflag:s22] =	dma.local [hbm:s5], s20  }
0xa4: {  	_ =	swait.ge [sflag:s22], s20  }
0xa5: {  	s4 =	ssub.s32 $0x0, s20;
	[sflag:s22] =	ssyncset.done $0x0  }
0xa6: {  	[sflag:s22] =	ssyncadd.s32 s4;
	_ =	sdelay $0x1  }
0xa7: {  	s23 =	simm.s32 $0x1B8B  }
0xa8: {  	_ =	swait.ge [sflag:s23], $0x1  }
0xa9: {  	[sflag:s23] =	ssyncset.done $0x0  }
0xaa: {  	s25 =	simm.s32 $0x1B8E;
	s24 =	sld [smem:$0x3FFE];
	[sflag:s23] =	ssyncadd.s32 $0xFFFFFFFF  }
0xab: {  	s26 =	simm.s32 $execute0_lowered;
	[smem:$0x3FD2] =	sst s25  }
0xac: {  	s5 =	sshll.u32 s26, $0x1;
	_ =	strace $0x8000004C;
	[dreg:$0x1] =	wrdreg $0xFFFFFFFF  }
0xad: {  	s28 =	simm.s32 $_size_execute0_lowered;
	s3 =	sadd.s32 s3, s5;
	[dreg:$0x0] =	wrdreg $0x0  }
0xae: {  	s5 =	sshll.u32 s28, $0x1;
	[dreg:$0x2] =	wrdreg s3  }
0xaf: {  	[dreg:$0x3] =	wrdreg s5  }
0xb0: {  	[dreg:$0x4] =	wrdreg $0xC0  }
0xb1: {  	_ =	task [dreg:s7], $0x5FFFF  }
0xb2: {  	[dreg:$0x1] =	wrdreg $0xFFFFFFFF  }
0xb3: {  	[dreg:$0x0] =	wrdreg $0x60  }
0xb4: {  	[dreg:$0x2] =	wrdreg s16  }
0xb5: {  	[dreg:$0x3] =	wrdreg s24  }
0xb6: {  	[dreg:$0x4] =	wrdreg $0xA  }
0xb7: {  	_ =	task.clear_ibuf [dreg:s7], $0x5FFFF;
	_ =	strace $0x9000004C  }
0xb8: {  	s29 =	simm.s32 $0xA;
	_ =	strace $0x8000004E  }
0xb9: {  	_ =	swait.ge [sflag:s29], $0x1  }
0xba: {  	[sflag:s29] =	ssyncadd.s32 $0xFFFFFFFF  }
0xbb: {  	_ =	strace $0x9000004E  }
0xbc: {  	_ =	sfence  }
0xbd: {  	s30 =	sld [smem:$0x0];
	_ =	sdelay $0x2  }
0xbe: {  	s31 =	sshll.u32 s1, $0xD;
	s1 =	sshrl.u32 s1, $0x2  }
0xbf: {  	s3 =	sand.u32 $0x4000, s31;
	s1 =	sadd.s32 s1, s30  }
0xc0: {  	s0 =	sor.u32 s3, s0;
	s1 =	sshll.u32 s1, $0x11  }
0xc1: {  	s0 =	sor.u32 s1, s0  }
0xc2: {  	s0 =	sadd.s32 $0x8F2B, s0  }
0xc3: {  	[sflag:s0] =	ssyncadd.remote.s32 $0x1  }
0xc4: {  	_ =	sfence.sel $0xFFFF  }
0xc5: {  	[dreg:$0x0] =	wrdreg $0xFFFFFFFF;
	(pc) =	sbr.abs _section_cstart, $3  }
0xc6: {  	[dreg:$0x1] =	wrdreg $0xFFFFFFFF  }
0xc7: {  	_ =	task.clear_ibuf [dreg:s7], $0x2FFFF;
	_ =	strace $0x9FFFFFFF  }
0xc8: {  	(tm) =	ssettm $0x7FFFFFFF  }
0xc9: {  	_ =	shalt  }
tec
execute0_lowered:
.L_overlay_start_1:
0x0: {  	(tag) =	ssettag $0x1  }
0x1: {  	s1 =	srdreg.scid;
	s2 =	rddreg [dreg:$0x0]  }
0x2: {  	s0 =	stileid.u32;
	s5 =	rddreg [dreg:$0x1];
	s6 =	simm.s32 $0x1  }
0x3: {  	s9 =	simm.s32 $0x1;
	s10 =	simm.s32 $0x3;
	s1 =	sshll.u32 s1, $0x8  }
0x4: {  	s13 =	simm.s32 $0x0;
	s3 =	sshll.u32 s0, $0x9;
	s4 =	sand.u32 $0x100, s1  }
0x5: {  	s12 =	simm.s32 $0x0;
	s1 =	rddreg [dreg:$0x2];
	s3 =	sor.u32 s3, s4  }
0x6: {  	_ =	strace $0x8000004D;
	s4 =	sadd.s32 $0x800, s5;
	s8 =	ssub.s32 $0x4000, s3  }
.Ltmp0:
0x7: {  	s5 =	sadd.s32 $0x1000, s5;
	s7 =	sand.u32 $0x1F00, s8;
	(pc) =	sbr.rel .LBB2_1-.Ltmp0, $4  }
0x8: {  	[sflag:s6] =	ssyncpa.u1 $0x0;
	s11 =	smov.u32 s3;
	p0 =	sne.s32 s7, $0x0  }
0x9: {  	s8 =	sshrl.u32 s8, $0xD;
	s7 =	simm.s32 $0x2;
	s9 =	simm.s32 @!p0 $0x0  }
0xa: {  	[sflag:s7] =	ssyncpa.u1 $0x0;
	p0 =	por $0x0, $0x0;
	s8 =	sadd.s32 s9, s8  }
0xb: {  	vm0 =	vmmov $0xffff;
	[sflag:s10] =	ssyncpa.u1 $0x0;
	s10 =	simm.s32 $0x0;
	s9 =	sadd.s32 $0x1, s8  }
.LBB2_4:
0xc: {  	v2 =	vnsel vm1, $0x0, v2  }
0xd: {  	vm1 =	vgt.s32 v0, $0x0;
	v2 =	vmin.u32 v2, $0x1869F  }
0xe: {  	v0 =	vnsel vm1, $0x0, v0  }
0xf: {  	v0 =	vmin.u32 v0, $0x1869F  }
0x10: {  	[tilespmem:s15], [sflag:$0x1] =	stream.indirect_vreg.gather [hbm4b:s2+s10], $0x1, v1, vm0, $0x4038;
	[tilespmem:$0x400] =	vst v63  }
0x11: {  	(ifvalue) =	ssetifvalue $0x7FFFFFFF  }
0x12: {  	[tilespmem:s16], [sflag:$0x1] =	stream.indirect_vreg.gather [hbm4b:s2+s10], $0x1, v2, vm0, $0x4038;
	[tilespmem:$0x400] =	vst v63  }
0x13: {  	s29 =	sadd.s32 $0x10, s16;
	(ifvalue) =	ssetifvalue $0x7FFFFFFF  }
0x14: {  	[tilespmem:s29], [sflag:$0x1] =	stream.indirect_vreg.gather [hbm4b:s2+s10], $0x1, v0, vm0, $0x4038;
	[tilespmem:$0x400] =	vst v63  }
0x15: {  	_ =	swait.ge [sflag:s6], $0x100  }
0x16: {  	s30 =	sshrl.u32 s13, $0x3;
	[sflag:s6] =	ssyncset.done $0x0  }
0x17: {  	s31 =	sand.u32 $0x7, s13;
	s15 =	sadd.s32 s5, s30;
	[sflag:s6] =	ssyncadd.s32 $0xFFFFFF00  }
0x18: {  	[hbm4b:s15+s31] =	stream.linear.scatter [tilespmem:s14], [sflag:$0x3], $0x100, $0x38;
	[tilespmem:$0x400] =	vst v63  }
.LBB2_5:
0x19: {  	s15 =	sadd.s32 $0x2000, s11  }
0x1a: {  	p2 =	sgt.s32 s15, $0x3FFF  }
0x1b: {  	s15 =	smov.u32 @p2 s3;
	p2 =	sne.s32 s12, s9  }
.Ltmp1:
0x1c: {  	p1 =	slt.u32 s12, $0x2;
	(pc) =	sbr.rel @!p2 .LBB2_6-.Ltmp1, $4  }
0x1d: {  	s14 =	simm.s32 @!p1 $0x3  }
0x1e: {  	s16 =	sadd.s32 $0x1, s12;
	_ =	swait.ge @!p1 [sflag:s14], $0x100  }
0x1f: {  	s13 =	smov.u32 s11;
	p0 =	por !p0, !p0;
	[sflag:s14] =	ssyncset.done @!p1 $0x0  }
0x20: {  	s12 =	smov.u32 s16;
	s11 =	smov.u32 s15;
	[sflag:s14] =	ssyncadd.s32 @!p1 $0xFFFFFF00  }
.LBB2_1:
0x21: {  	p1 =	sge.u32 s12, s8  }
0x22: {  	s14 =	sxor.u32 @!p1 $0xFFFFFFFF, s12  }
0x23: {  	s31 =	sadd.s32 $0xFFFFFFFF, s12;
	s15 =	sshrl.u32 @!p1 s11, $0x3;
	s14 =	sshll.u32 @!p1 s14, $0x8  }
0x24: {  	s16 =	sand.u32 @!p1 $0x7, s11;
	s15 =	sadd.s32 @!p1 s4, s15;
	s14 =	sand.u32 @!p1 $0x100, s14  }
0x25: {  	[tilespmem:s14], [sflag:$0x2] =	stream.linear.gather @!p1 [hbm4b:s15+s16], $0x100, $0x38;
	[tilespmem:$0x400] =	vst v63  }
0x26: {  	p1 =	sge.u32 s31, s8  }
.Ltmp2:
0x27: {  	_ = 	snop;
	(pc) =	sbr.rel @p1 .LBB2_5-.Ltmp2, $1  }
0x28: {  	_ =	sdelay $0x3  }
0x29: {  	s14 =	simm.s32 $0x1  }
0x2a: {  	_ =	swait.ge [sflag:s7], $0x100;
	s14 =	simm.s32 @!p0 $0x0  }
0x2b: {  	[sflag:s7] =	ssyncset.done $0x0;
	s14 =	sshll.u32 s14, $0x8  }
0x2c: {  	[sflag:s7] =	ssyncadd.s32 $0xFFFFFF00;
	(ifvalue) =	ssetifvalue $0x7FFFFFFF;
	v0 =	vld.msk [tilespmem:s14+$0x0 ss:$0x1], $0xffff;
	_ =	sdelay $0x4  }
0x2d: {  	s15 =	sadd.s32 $0x10, s14;
	vm1 =	vgt.s32 v0, $0x0  }
0x2e: {  	v2 =	vld.msk [tilespmem:s15+$0x0 ss:$0x1], $0xffff;
	v1 =	vnsel vm1, $0x0, v0  }
0x2f: {  	v1 =	vmin.u32 v1, $0x1869F;
	_ =	sdelay $0x1  }
0x30: {  	s16 =	sshll.u32 s12, $0x8;
	s18 =	simm.s32 $0x20  }
0x31: {  	s16 =	sand.u32 $0x100, s16;
	s17 =	sadd.s32 $0x10, s15;
	s15 =	sor.u32 $0x200, s14  }
0x32: {  	s14 =	sor.u32 $0x200, s16;
	s16 =	sadd.s32 $0x10, s15;
	v0 =	vld.msk [tilespmem:s17+$0x0 ss:$0x1], $0xffff;
	vm1 =	vgt.s32 v2, $0x0;
	(ifvalue) =	ssetifvalue $0x7FFFFFFF  }
.LBB2_3:
0x33: {  	[tilespmem:s15], [sflag:$0x1] =	stream.indirect_vreg.gather [hbm4b:s2+s10], $0x1, v1, vm0, $0x4038;
	[tilespmem:$0x400] =	vst v63  }
0x34: {  	s18 =	sadd.s32 $0x10, s18  }
0x35: {  	v2 =	vnsel vm1, $0x0, v2;
	p1 =	slt.u32 s18, $0xF0  }
.Ltmp3:
0x36: {  	s15 =	smov.u32 s16;
	v1 =	vmin.u32 v2, $0x1869F;
	(pc) =	sbr.rel @p1 .LBB2_3-.Ltmp3, $3  }
0x37: {  	_ =	sdelay $0x1  }
0x38: {  	s17 =	sadd.s32 $0x10, s17  }
0x39: {  	vm1 =	vgt.s32 v0, $0x0;
	s16 =	sadd.s32 $0x10, s16;
	v2 =	vmov v0;
	(ifvalue) =	ssetifvalue $0x7FFFFFFF;
	v0 =	vld.msk [tilespmem:s17+$0x0 ss:$0x1], $0xffff  }
.Ltmp4:
0x3a: {  	_ = 	snop;
	(pc) =	sbr.rel .LBB2_4-.Ltmp4, $1  }
0x3b: {  	_ =	sdelay $0x3  }
.LBB2_6:
0x3c: {  	_ =	sfence.sel $0x180000  }
0x3d: {  	s2 =	simm.s32 $0x2;
	[bflag:$0x0] =	sbarrier.arrive $0xFFFF  }
0x3e: {  	s30 =	simm.s32 $0x3;
	[sflag:s2] =	ssyncpa.u1 $0x1  }
0x3f: {  	s31 =	simm.s32 $0x1;
	[sflag:s30] =	ssyncpa.u1 $0x1  }
0x40: {  	[sflag:s31] =	ssyncpa.u1 $0x1  }
0x41: {  	p0 =	sne.s32 s0, $0x0;
	_ =	strace $0x9000004D  }
0x42: {  	s0 =	sadd.s32 @!p0 $0x100000, s1;
	[bflag:$0x2] =	sbarrier.arrive $0xFFFF  }
0x43: {  	[sflag:s0] =	ssyncadd.tile.s32 @!p0 $0x1;
	_ =	shalt  }
.Lfunc_end2:
_tile_overlayer_lowered:
.L_overlay_start_2:
0x44: {  	(tag) =	ssettag $0x2  }
0x45: {  	s0 =	rddreg [dreg:$0x0];
	s2 =	stileid.u32  }
0x46: {  	s1 =	rddreg [dreg:$0x1];
	p0 =	sne.s32 s2, $0x0  }
0x47: {  	s3 =	rddreg [dreg:$0x2];
	[bflag:$0x3] =	sbarrier.arrive $0xFFFF;
	s2 =	simm.s32 @!p0 $0x1C01  }
0x48: {  	[timem:s3], [sflag:s2] =	dma.local @!p0 [hbm:s0], s1  }
0x49: {  	s0 =	simm.s32 @!p0 $0x1  }
0x4a: {  	_ =	swait.ge @!p0 [sflag:s0], s1  }
0x4b: {  	s1 =	ssub.s32 @!p0 $0x0, s1;
	[sflag:s0] =	ssyncset.done @!p0 $0x0  }
0x4c: {  	[sflag:s0] =	ssyncadd.s32 @!p0 s1  }
0x4d: {  	[bflag:$0x3] =	sbarrier.arrive $0xFFFF  }
0x4e: {  	_ =	shalt  }

// kernel: gather_offload_async_start
scs
__scs_entry_jumppad:
0x0: {  	(pc) =	sbr.rel $0x88, $3  }
0x1: {  	(tag) =	ssettag $0x0;
	lr =	simm.s32 $0x1  }
0x2: {  	[smem:$0x3F9D] =	sst lr;
	_ =	strace $0xD0000000  }
0x3: {  	_ = 	snop  }
0x4: {  	_ = 	snop  }
0x5: {  	_ = 	snop  }
0x6: {  	_ = 	snop  }
0x7: {  	_ = 	snop  }
__scs_overlays_trampoline_lowered:
0x8: {  	[smem:$0x3FAC] =	sst s0  }
0x9: {  	[smem:$0x3FAD] =	sst s1  }
0xa: {  	[smem:$0x3FAE] =	sst s2  }
0xb: {  	[smem:$0x3FAF] =	sst s3  }
0xc: {  	[smem:$0x3FB0] =	sst s4  }
0xd: {  	[smem:$0x3FB1] =	sst s5  }
0xe: {  	[smem:$0x3FB2] =	sst s6  }
0xf: {  	[smem:$0x3FB3] =	sst s7  }
0x10: {  	[smem:$0x3FB4] =	sst s8  }
0x11: {  	[smem:$0x3FB5] =	sst s9;
	s0 =	simm.s32 @!p0 $0x0  }
0x12: {  	s1 =	sld [smem:$0x3F9B];
	s0 =	simm.s32 @p0 $0x1  }
0x13: {  	[smem:$0x3FB6] =	sst s0;
	s0 =	simm.s32 @!p1 $0x0  }
0x14: {  	s2 =	sld [smem:$0x3F9A];
	s0 =	simm.s32 @p1 $0x1  }
0x15: {  	[smem:$0x3FB7] =	sst s0;
	s0 =	simm.s32 @!p2 $0x0  }
0x16: {  	s3 =	sld [smem:$0x3FDB];
	s0 =	simm.s32 @p2 $0x1  }
0x17: {  	s4 =	simm.s32 $0x1BF5;
	[smem:$0x3FB9] =	sst s0  }
0x18: {  	s0 =	sld [smem:$0x3F9C];
	_ =	swait.ge [sflag:s4], $0x0  }
0x19: {  	s7 =	sld [smem:$0x3F9D]  }
0x1a: {  	s8 =	sadd.s32 $0xFFFFE003, lr  }
0x1b: {  	s9 =	sadd.s32 $0xFFFFFEF7, lr;
	s5 =	simm.s32 $0xFFFFFFFF;
	p2 =	slt.u32 s8, $0xFFFFF086  }
0x1c: {  	p1 =	slt.u32 s9, $0xF7A;
	s5 =	simm.s32 @!p2 $0x0  }
0x1d: {  	s5 =	simm.s32 @p1 $0x1;
	p0 =	seq.s32 s7, s2  }
0x1e: {  	s7 =	smul.u32 @!p0 $0xF7A, s2;
	p2 =	seq.s32 @!p0 s5, $0x0  }
0x1f: {  	s9 =	smul.u32 $0xF7A, s1;
	s8 =	simm.s32 @!p0 $0x1BF5;
	p2 =	por !p2, p0  }
0x20: {  	[sflag:s8] =	ssyncset.s32 @!p0 $0xFFFFF086;
	s6 =	sadd.s32 @!p0 s3, s7;
	s7 =	simm.s32 @!p0 $0x108  }
0x21: {  	s3 =	sadd.s32 s3, s9;
	s6 =	sadd.s32 @!p0 $0x88, s6;
	s7 =	simm.s32 @p2 $0x1082  }
0x22: {  	[simem:s7], [sflag:s8] =	dma.local @!p0 [hbm:s6], $0xF7A  }
0x23: {  	s9 =	sor.u32 $0xD0000000, s2;
	s6 =	simm.s32 $0x108;
	_ =	swait.ge @!p0 [sflag:s8], $0x0  }
0x24: {  	s3 =	sadd.s32 $0x88, s3;
	s6 =	simm.s32 @!p1 $0x1082;
	[sflag:s4] =	ssyncset.s32 $0xFFFFF086  }
0x25: {  	[simem:s6], [sflag:s4] =	dma.local [hbm:s3], $0xF7A  }
0x26: {  	[smem:$0x3F9D] =	sst s1;
	(tag) =	ssettag s2;
	_ =	strace s9  }
0x27: {  	s1 =	sld [smem:$0x3FAD]  }
0x28: {  	s2 =	sld [smem:$0x3FAE]  }
0x29: {  	s4 =	sld [smem:$0x3FB0]  }
0x2a: {  	p0 =	seq.s32 s5, $0x0;
	s5 =	sld [smem:$0x3FB1]  }
0x2b: {  	s6 =	sld [smem:$0x3FB2]  }
0x2c: {  	s7 =	sld [smem:$0x3FB3]  }
0x2d: {  	s3 =	simm.s32 $0x108;
	s8 =	sld [smem:$0x3FB4]  }
0x2e: {  	s3 =	simm.s32 @!p0 $0x1082;
	s9 =	sld [smem:$0x3FB5]  }
0x2f: {  	lr =	sadd.s32 s0, s3;
	s0 =	sld [smem:$0x3FAC]  }
0x30: {  	s3 =	sld [smem:$0x3FAF]  }
0x31: {  	[smem:$0x3FB8] =	sst s10  }
0x32: {  	s10 =	sld [smem:$0x3FB6];
	_ =	sdelay $0x3  }
0x33: {  	p0 =	seq.s32 s10, $0x1;
	s10 =	sld [smem:$0x3FB8];
	_ =	sdelay $0x3  }
0x34: {  	[smem:$0x3FB8] =	sst s10  }
0x35: {  	s10 =	sld [smem:$0x3FB7];
	_ =	sdelay $0x3  }
0x36: {  	p1 =	seq.s32 s10, $0x1;
	s10 =	sld [smem:$0x3FB8];
	_ =	sdelay $0x3  }
0x37: {  	[smem:$0x3FB8] =	sst s10  }
0x38: {  	s10 =	sld [smem:$0x3FB9]  }
0x39: {  	_ = 	snop;
	(pc) =	sbr.ind lr, $3  }
0x3a: {  	_ = 	snop  }
0x3b: {  	_ = 	snop  }
0x3c: {  	p2 =	seq.s32 s10, $0x1;
	s10 =	sld [smem:$0x3FB8]  }
0x3d: {  	_ =	shalt  }
0x3e: {  	_ =	shalt  }
0x3f: {  	_ =	shalt  }
0x40: {  	_ =	shalt  }
0x41: {  	_ =	shalt  }
0x42: {  	_ =	shalt  }
0x43: {  	_ =	shalt  }
0x44: {  	_ =	shalt  }
0x45: {  	_ =	shalt  }
0x46: {  	_ =	shalt  }
0x47: {  	_ =	shalt  }
0x48: {  	_ =	shalt  }
0x49: {  	_ =	shalt  }
0x4a: {  	_ =	shalt  }
0x4b: {  	_ =	shalt  }
0x4c: {  	_ =	shalt  }
0x4d: {  	_ =	shalt  }
0x4e: {  	_ =	shalt  }
0x4f: {  	_ =	shalt  }
0x50: {  	_ =	shalt  }
0x51: {  	_ =	shalt  }
0x52: {  	_ =	shalt  }
0x53: {  	_ =	shalt  }
0x54: {  	_ =	shalt  }
0x55: {  	_ =	shalt  }
0x56: {  	_ =	shalt  }
0x57: {  	_ =	shalt  }
0x58: {  	_ =	shalt  }
0x59: {  	_ =	shalt  }
0x5a: {  	_ =	shalt  }
0x5b: {  	_ =	shalt  }
0x5c: {  	_ =	shalt  }
0x5d: {  	_ =	shalt  }
0x5e: {  	_ =	shalt  }
0x5f: {  	_ =	shalt  }
0x60: {  	_ =	shalt  }
0x61: {  	_ =	shalt  }
0x62: {  	_ =	shalt  }
0x63: {  	_ =	shalt  }
0x64: {  	_ =	shalt  }
0x65: {  	_ =	shalt  }
0x66: {  	_ =	shalt  }
0x67: {  	_ =	shalt  }
0x68: {  	_ =	shalt  }
0x69: {  	_ =	shalt  }
0x6a: {  	_ =	shalt  }
0x6b: {  	_ =	shalt  }
0x6c: {  	_ =	shalt  }
0x6d: {  	_ =	shalt  }
0x6e: {  	_ =	shalt  }
0x6f: {  	_ =	shalt  }
0x70: {  	_ =	shalt  }
0x71: {  	_ =	shalt  }
0x72: {  	_ =	shalt  }
0x73: {  	_ =	shalt  }
0x74: {  	_ =	shalt  }
0x75: {  	_ =	shalt  }
0x76: {  	_ =	shalt  }
0x77: {  	_ =	shalt  }
0x78: {  	_ =	shalt  }
0x79: {  	_ =	shalt  }
0x7a: {  	_ =	shalt  }
0x7b: {  	_ =	shalt  }
0x7c: {  	_ =	shalt  }
0x7d: {  	_ =	shalt  }
0x7e: {  	_ =	shalt  }
0x7f: {  	_ =	shalt  }
0x80: {  	_ =	shalt  }
0x81: {  	_ =	shalt  }
0x82: {  	_ =	shalt  }
0x83: {  	_ =	shalt  }
0x84: {  	_ =	shalt  }
0x85: {  	_ =	shalt  }
0x86: {  	_ =	shalt  }
0x87: {  	_ =	shalt  }
.Lfunc_end0:
.L_simem_size_0:
called_computation_lowered:
.L_overlay_start_0:
0x88: {  	s2 =	sld [smem:$0x3FD9]  }
0x89: {  	s3 =	sld [smem:$0x3FFE];
	_ =	sdelay $0x1  }
0x8a: {  	s1 =	srdreg.scid  }
0x8b: {  	s0 =	sand.u32 $0x1, s1  }
0x8c: {  	s16 =	sshll.u32 s0, $0xA;
	s2 =	sadd.s32 s3, s2  }
0x8d: {  	s2 =	sadd.s32 s2, s16  }
0x8e: {  	[smem:$0x3FC4] =	sst s2  }
0x8f: {  	_ = 	snop  }
0x90: {  	(tm) =	ssettm $0x1  }
0x91: {  	s17 =	sld [smem:$0x3FFB];
	_ =	sdelay $0x3  }
0x92: {  	_ =	strace s17  }
0x93: {  	s2 =	sld [smem:$0x3FFC];
	_ =	sdelay $0x3  }
0x94: {  	_ =	strace s2  }
0x95: {  	s2 =	sld [smem:$0x3FFD];
	_ =	sdelay $0x3  }
0x96: {  	_ =	strace s2  }
0x97: {  	_ =	strace $0x8FFFFFFF  }
0x98: {  	s18 =	sld [smem:$0x3FDB];
	_ =	sdelay $0x1  }
0x99: {  	s19 =	simm.s32 $_scs_section_size  }
0x9a: {  	s4 =	simm.s32 $_size__tile_overlayer_lowered;
	s5 =	simm.s32 $_tile_overlayer_lowered  }
0x9b: {  	s22 =	simm.s32 $0x1BFF;
	s21 =	sshll.u32 s5, $0x1;
	s2 =	sadd.s32 s19, s18  }
0x9c: {  	s6 =	simm.s32 $0x0;
	s20 =	sshll.u32 s4, $0x1;
	s4 =	sadd.s32 s21, s2  }
0x9d: {  	[timem:s6], [sflag:s22] =	dma.local [hbm:s4], s20  }
0x9e: {  	_ =	swait.ge [sflag:s22], s20  }
0x9f: {  	s3 =	ssub.s32 $0x0, s20;
	[sflag:s22] =	ssyncset.done $0x0  }
0xa0: {  	[sflag:s22] =	ssyncadd.s32 s3;
	_ =	sdelay $0x1  }
0xa1: {  	s23 =	simm.s32 $0x1B8B  }
0xa2: {  	_ =	swait.ge [sflag:s23], $0x1  }
0xa3: {  	[sflag:s23] =	ssyncset.done $0x0  }
0xa4: {  	s25 =	simm.s32 $0x1B8E;
	s24 =	sld [smem:$0x3FFE];
	[sflag:s23] =	ssyncadd.s32 $0xFFFFFFFF  }
0xa5: {  	s26 =	simm.s32 $execute0_lowered;
	[smem:$0x3FD2] =	sst s25  }
0xa6: {  	s4 =	sshll.u32 s26, $0x1;
	_ =	strace $0x80000052;
	[dreg:$0x1] =	wrdreg $0xFFFFFFFF  }
0xa7: {  	s28 =	simm.s32 $_size_execute0_lowered;
	s2 =	sadd.s32 s2, s4;
	[dreg:$0x0] =	wrdreg $0x0  }
0xa8: {  	s4 =	sshll.u32 s28, $0x1;
	[dreg:$0x2] =	wrdreg s2  }
0xa9: {  	[dreg:$0x3] =	wrdreg s4  }
0xaa: {  	[dreg:$0x4] =	wrdreg $0xC0  }
0xab: {  	_ =	task [dreg:s6], $0x5FFFF  }
0xac: {  	[dreg:$0x1] =	wrdreg $0xFFFFFFFF  }
0xad: {  	[dreg:$0x0] =	wrdreg $0x60  }
0xae: {  	[dreg:$0x2] =	wrdreg s24  }
0xaf: {  	[dreg:$0x3] =	wrdreg $0x9  }
0xb0: {  	_ =	task.clear_ibuf [dreg:s6], $0x4FFFF;
	_ =	strace $0x90000052  }
0xb1: {  	s29 =	simm.s32 $0x9;
	_ =	strace $0x80000054  }
0xb2: {  	_ =	swait.ge [sflag:s29], $0x1  }
0xb3: {  	[sflag:s29] =	ssyncadd.s32 $0xFFFFFFFF  }
0xb4: {  	_ =	strace $0x90000054  }
0xb5: {  	_ =	sfence  }
0xb6: {  	s30 =	sld [smem:$0x0];
	_ =	sdelay $0x2  }
0xb7: {  	s31 =	sshll.u32 s1, $0xD;
	s1 =	sshrl.u32 s1, $0x2  }
0xb8: {  	s3 =	sand.u32 $0x4000, s31;
	s1 =	sadd.s32 s1, s30  }
0xb9: {  	s0 =	sor.u32 s3, s0;
	s1 =	sshll.u32 s1, $0x11  }
0xba: {  	s0 =	sor.u32 s1, s0  }
0xbb: {  	s0 =	sadd.s32 $0x8F2B, s0  }
0xbc: {  	[sflag:s0] =	ssyncadd.remote.s32 $0x1  }
0xbd: {  	_ =	sfence.sel $0xFFFF  }
0xbe: {  	[dreg:$0x0] =	wrdreg $0xFFFFFFFF;
	(pc) =	sbr.abs _section_cstart, $3  }
0xbf: {  	[dreg:$0x1] =	wrdreg $0xFFFFFFFF  }
0xc0: {  	_ =	task.clear_ibuf [dreg:s6], $0x2FFFF;
	_ =	strace $0x9FFFFFFF  }
0xc1: {  	(tm) =	ssettm $0x7FFFFFFF  }
tec
execute0_lowered:
.L_overlay_start_1:
0x0: {  	(tag) =	ssettag $0x1  }
0x1: {  	s0 =	srdreg.scid;
	s5 =	rddreg [dreg:$0x0]  }
0x2: {  	s1 =	stileid.u32;
	s6 =	simm.s32 $0x1;
	s9 =	simm.s32 $0x1  }
0x3: {  	s10 =	simm.s32 $0x3;
	s13 =	simm.s32 $0x0;
	s2 =	sshll.u32 s0, $0x8  }
0x4: {  	s12 =	simm.s32 $0x0;
	s3 =	sshll.u32 s1, $0x9;
	s2 =	sand.u32 $0x100, s2  }
0x5: {  	s0 =	rddreg [dreg:$0x1];
	_ =	strace $0x80000053;
	s2 =	sor.u32 s3, s2  }
0x6: {  	s4 =	sadd.s32 $0x800, s5;
	[sflag:s6] =	ssyncpa.u1 $0x0;
	s8 =	ssub.s32 $0x4000, s2  }
.Ltmp0:
0x7: {  	s3 =	sadd.s32 $0x2A00, s5;
	s7 =	sand.u32 $0x1F00, s8;
	(pc) =	sbr.rel .LBB2_1-.Ltmp0, $4  }
0x8: {  	s5 =	sadd.s32 $0x1000, s5;
	s11 =	smov.u32 s2;
	p0 =	sne.s32 s7, $0x0  }
0x9: {  	s8 =	sshrl.u32 s8, $0xD;
	s7 =	simm.s32 $0x2;
	s9 =	simm.s32 @!p0 $0x0  }
0xa: {  	[sflag:s7] =	ssyncpa.u1 $0x0;
	p0 =	por $0x0, $0x0;
	s8 =	sadd.s32 s9, s8  }
0xb: {  	vm0 =	vmmov $0xffff;
	[sflag:s10] =	ssyncpa.u1 $0x0;
	s10 =	simm.s32 $0x0;
	s9 =	sadd.s32 $0x1, s8  }
.LBB2_4:
0xc: {  	v2 =	vnsel vm1, $0x0, v2  }
0xd: {  	vm1 =	vgt.s32 v0, $0x0;
	v2 =	vmin.u32 v2, $0x1869F  }
0xe: {  	v0 =	vnsel vm1, $0x0, v0  }
0xf: {  	v0 =	vmin.u32 v0, $0x1869F  }
0x10: {  	[tilespmem:s15], [sflag:$0x1] =	stream.indirect_vreg.gather [hbm4b:s3+s10], $0x1, v1, vm0, $0x4038;
	[tilespmem:$0x400] =	vst v63  }
0x11: {  	(ifvalue) =	ssetifvalue $0x7FFFFFFF  }
0x12: {  	[tilespmem:s16], [sflag:$0x1] =	stream.indirect_vreg.gather [hbm4b:s3+s10], $0x1, v2, vm0, $0x4038;
	[tilespmem:$0x400] =	vst v63  }
0x13: {  	s29 =	sadd.s32 $0x10, s16;
	(ifvalue) =	ssetifvalue $0x7FFFFFFF  }
0x14: {  	[tilespmem:s29], [sflag:$0x1] =	stream.indirect_vreg.gather [hbm4b:s3+s10], $0x1, v0, vm0, $0x4038;
	[tilespmem:$0x400] =	vst v63  }
0x15: {  	_ =	swait.ge [sflag:s6], $0x100  }
0x16: {  	s30 =	sshrl.u32 s13, $0x3;
	[sflag:s6] =	ssyncset.done $0x0  }
0x17: {  	s31 =	sand.u32 $0x7, s13;
	s15 =	sadd.s32 s5, s30;
	[sflag:s6] =	ssyncadd.s32 $0xFFFFFF00  }
0x18: {  	[hbm4b:s15+s31] =	stream.linear.scatter [tilespmem:s14], [sflag:$0x3], $0x100, $0x38;
	[tilespmem:$0x400] =	vst v63  }
.LBB2_5:
0x19: {  	s15 =	sadd.s32 $0x2000, s11  }
0x1a: {  	p2 =	sgt.s32 s15, $0x3FFF  }
0x1b: {  	s15 =	smov.u32 @p2 s2;
	p2 =	sne.s32 s12, s9  }
.Ltmp1:
0x1c: {  	p1 =	slt.u32 s12, $0x2;
	(pc) =	sbr.rel @!p2 .LBB2_6-.Ltmp1, $4  }
0x1d: {  	s14 =	simm.s32 @!p1 $0x3  }
0x1e: {  	s16 =	sadd.s32 $0x1, s12;
	_ =	swait.ge @!p1 [sflag:s14], $0x100  }
0x1f: {  	s13 =	smov.u32 s11;
	p0 =	por !p0, !p0;
	[sflag:s14] =	ssyncset.done @!p1 $0x0  }
0x20: {  	s12 =	smov.u32 s16;
	s11 =	smov.u32 s15;
	[sflag:s14] =	ssyncadd.s32 @!p1 $0xFFFFFF00  }
.LBB2_1:
0x21: {  	p1 =	sge.u32 s12, s8  }
0x22: {  	s14 =	sxor.u32 @!p1 $0xFFFFFFFF, s12  }
0x23: {  	s31 =	sadd.s32 $0xFFFFFFFF, s12;
	s15 =	sshrl.u32 @!p1 s11, $0x3;
	s14 =	sshll.u32 @!p1 s14, $0x8  }
0x24: {  	s16 =	sand.u32 @!p1 $0x7, s11;
	s15 =	sadd.s32 @!p1 s4, s15;
	s14 =	sand.u32 @!p1 $0x100, s14  }
0x25: {  	[tilespmem:s14], [sflag:$0x2] =	stream.linear.gather @!p1 [hbm4b:s15+s16], $0x100, $0x38;
	[tilespmem:$0x400] =	vst v63  }
0x26: {  	p1 =	sge.u32 s31, s8  }
.Ltmp2:
0x27: {  	_ = 	snop;
	(pc) =	sbr.rel @p1 .LBB2_5-.Ltmp2, $1  }
0x28: {  	_ =	sdelay $0x3  }
0x29: {  	s14 =	simm.s32 $0x1  }
0x2a: {  	_ =	swait.ge [sflag:s7], $0x100;
	s14 =	simm.s32 @!p0 $0x0  }
0x2b: {  	[sflag:s7] =	ssyncset.done $0x0;
	s14 =	sshll.u32 s14, $0x8  }
0x2c: {  	[sflag:s7] =	ssyncadd.s32 $0xFFFFFF00;
	(ifvalue) =	ssetifvalue $0x7FFFFFFF;
	v0 =	vld.msk [tilespmem:s14+$0x0 ss:$0x1], $0xffff;
	_ =	sdelay $0x4  }
0x2d: {  	s15 =	sadd.s32 $0x10, s14;
	vm1 =	vgt.s32 v0, $0x0  }
0x2e: {  	v2 =	vld.msk [tilespmem:s15+$0x0 ss:$0x1], $0xffff;
	v1 =	vnsel vm1, $0x0, v0  }
0x2f: {  	v1 =	vmin.u32 v1, $0x1869F;
	_ =	sdelay $0x1  }
0x30: {  	s16 =	sshll.u32 s12, $0x8;
	s18 =	simm.s32 $0x20  }
0x31: {  	s16 =	sand.u32 $0x100, s16;
	s17 =	sadd.s32 $0x10, s15;
	s15 =	sor.u32 $0x200, s14  }
0x32: {  	s14 =	sor.u32 $0x200, s16;
	s16 =	sadd.s32 $0x10, s15;
	v0 =	vld.msk [tilespmem:s17+$0x0 ss:$0x1], $0xffff;
	vm1 =	vgt.s32 v2, $0x0;
	(ifvalue) =	ssetifvalue $0x7FFFFFFF  }
.LBB2_3:
0x33: {  	[tilespmem:s15], [sflag:$0x1] =	stream.indirect_vreg.gather [hbm4b:s3+s10], $0x1, v1, vm0, $0x4038;
	[tilespmem:$0x400] =	vst v63  }
0x34: {  	s18 =	sadd.s32 $0x10, s18  }
0x35: {  	v2 =	vnsel vm1, $0x0, v2;
	p1 =	slt.u32 s18, $0xF0  }
.Ltmp3:
0x36: {  	s15 =	smov.u32 s16;
	v1 =	vmin.u32 v2, $0x1869F;
	(pc) =	sbr.rel @p1 .LBB2_3-.Ltmp3, $3  }
0x37: {  	_ =	sdelay $0x1  }
0x38: {  	s17 =	sadd.s32 $0x10, s17  }
0x39: {  	vm1 =	vgt.s32 v0, $0x0;
	s16 =	sadd.s32 $0x10, s16;
	v2 =	vmov v0;
	(ifvalue) =	ssetifvalue $0x7FFFFFFF;
	v0 =	vld.msk [tilespmem:s17+$0x0 ss:$0x1], $0xffff  }
.Ltmp4:
0x3a: {  	_ = 	snop;
	(pc) =	sbr.rel .LBB2_4-.Ltmp4, $1  }
0x3b: {  	_ =	sdelay $0x3  }
.LBB2_6:
0x3c: {  	_ =	sfence.sel $0x180000  }
0x3d: {  	s2 =	simm.s32 $0x2;
	[bflag:$0x0] =	sbarrier.arrive $0xFFFF  }
0x3e: {  	s30 =	simm.s32 $0x3;
	[sflag:s2] =	ssyncpa.u1 $0x1  }
0x3f: {  	s31 =	simm.s32 $0x1;
	[sflag:s30] =	ssyncpa.u1 $0x1  }
0x40: {  	[sflag:s31] =	ssyncpa.u1 $0x1  }
0x41: {  	p0 =	sne.s32 s1, $0x0;
	_ =	strace $0x90000053  }
0x42: {  	s0 =	sadd.s32 @!p0 $0x100000, s0;
	[bflag:$0x2] =	sbarrier.arrive $0xFFFF  }
0x43: {  	[sflag:s0] =	ssyncadd.tile.s32 @!p0 $0x1;
	_ =	shalt  }
.Lfunc_end2:
_tile_overlayer_lowered:
.L_overlay_start_2:
0x44: {  	(tag) =	ssettag $0x2  }
0x45: {  	s0 =	rddreg [dreg:$0x0];
	s2 =	stileid.u32  }
0x46: {  	s1 =	rddreg [dreg:$0x1];
	p0 =	sne.s32 s2, $0x0  }
0x47: {  	s3 =	rddreg [dreg:$0x2];
	[bflag:$0x3] =	sbarrier.arrive $0xFFFF;
	s2 =	simm.s32 @!p0 $0x1C01  }
0x48: {  	[timem:s3], [sflag:s2] =	dma.local @!p0 [hbm:s0], s1  }
0x49: {  	s0 =	simm.s32 @!p0 $0x1  }
0x4a: {  	_ =	swait.ge @!p0 [sflag:s0], s1  }
0x4b: {  	s1 =	ssub.s32 @!p0 $0x0, s1;
	[sflag:s0] =	ssyncset.done @!p0 $0x0  }
0x4c: {  	[sflag:s0] =	ssyncadd.s32 @!p0 s1  }
0x4d: {  	[bflag:$0x3] =	sbarrier.arrive $0xFFFF  }
0x4e: {  	_ =	shalt  }

</sc_bundles>
